<compile_context>
chip_gen: v7x
topology: tpu7x:2x2x1
jax: 0.10.2.dev20260603
libtpu: 0.0.44.dev20260713+nightly
codegen_flags: <defaults>
</compile_context>

<pallas_src>
import jax
import jax.numpy as jnp
from jax import lax
from jax.experimental import pallas as pl
from jax.experimental.pallas import tpu as pltpu
from jax.experimental.pallas import tpu_sc as plsc

N_ROWS = 100000
D = 128
NSEG = 512
NLANE = 16
NVREG = D // NLANE
NC = 2
NS = 16
NW = NC * NS
SEG_PER_W = NSEG // NW
STARTS_PER_W = 32
CHUNK = 320
CHUNKB = CHUNK + 8
NBUF = 3
NSEARCH = 17
SLOT = 6400
NSLOT = 16
LAST_SLOT = N_ROWS - SLOT * (NSLOT - 1)

NEG_INF = float("-inf")


def _worker_id():
    return lax.axis_index("s") * NC + lax.axis_index("c")


def _sc_starts(idx_hbm, idx_v, pos_v, probes_v, out_v, sem):
    wid = _worker_id()
    lane = lax.broadcasted_iota(jnp.int32, (NLANE,), 0)

    pos_v[pl.ds(0, NLANE)] = jnp.minimum((lane + 1) * SLOT,
                                         SLOT * (NSLOT - 1))
    copy = pltpu.make_async_copy(idx_hbm.at[pos_v], probes_v, sem)
    copy.start()
    copy.wait()
    big = jnp.full((NLANE,), 1 << 30, jnp.int32)
    vals = jnp.where(lane < NSLOT - 1, probes_v[pl.ds(0, NLANE)], big)

    q_min = wid * SEG_PER_W
    q_max = q_min + SEG_PER_W
    k_lo = plsc.all_reduce_population_count(vals < q_min)[0]
    k_hi = plsc.all_reduce_population_count(vals < q_max)[0]
    row_a = k_lo * SLOT
    row_b = jnp.minimum((k_hi + 1) * SLOT, N_ROWS)

    def copy_slot(k2, _):
        dst = pl.multiple_of((k2 - k_lo) * SLOT, 8)
        src = pl.multiple_of(k2 * SLOT, 8)

        @pl.when(k2 < NSLOT - 1)
        def _():
            pltpu.sync_copy(idx_hbm.at[pl.ds(src, SLOT)],
                            idx_v.at[pl.ds(dst, SLOT)])

        @pl.when(k2 >= NSLOT - 1)
        def _():
            pltpu.sync_copy(idx_hbm.at[pl.ds(src, LAST_SLOT)],
                            idx_v.at[pl.ds(dst, LAST_SLOT)])

        return 0

    lax.fori_loop(k_lo, k_hi + 1, copy_slot, 0)

    for half in range(2):
        q = q_min + half * NLANE + lane

        def step(_, carry):
            lo, hi = carry
            mid = jnp.maximum((lo + hi) // 2, row_a)
            probe = plsc.load_gather(idx_v, [mid - row_a])
            lt = probe < q
            return (jnp.where(lt, mid, lo), jnp.where(lt, hi, mid))

        lo0 = jnp.full((NLANE,), -1, jnp.int32) + row_a
        hi0 = jnp.full((NLANE,), 0, jnp.int32) + row_b
        _, hi = lax.fori_loop(0, NSEARCH, step, (lo0, hi0))
        out_v[pl.ds(half * NLANE, NLANE)] = hi


def _sc_segment_max(embs_hbm, out_hbm, starts_v, rows_v, out_v, sems):
    wid = _worker_id()
    seg_base = wid * SEG_PER_W

    neg = jnp.full((NLANE,), NEG_INF, jnp.float32)

    def init_out(j, _):
        for u in range(NVREG):
            out_v[j, pl.ds(u * NLANE, NLANE)] = neg
        return 0

    lax.fori_loop(0, SEG_PER_W, init_out, 0)

    head = starts_v[pl.ds(0, NLANE)]
    tail = starts_v[pl.ds(NLANE, NLANE)]
    r_lo = head[0]
    r_hi = tail[0]
    nchunks = (r_hi - r_lo + CHUNK - 1) // CHUNK

    def chunk_base(k):
        b0 = r_lo + k * CHUNK
        base_c = jnp.minimum((b0 // 8) * 8, N_ROWS - CHUNKB)
        return b0, pl.multiple_of(base_c, 8)

    def chunk_copy(k):
        _, base_c = chunk_base(k)
        buf = k % NBUF
        return pltpu.make_async_copy(embs_hbm.at[pl.ds(base_c, CHUNKB)],
                                     rows_v.at[buf], sems.at[buf])

    def start_chunk(k):
        chunk_copy(k).start()

    for p in range(NBUF - 1):
        @pl.when(p < nchunks)
        def _():
            start_chunk(p)

    def per_chunk(m, carry):
        j = carry[0]
        acc0 = carry[1:]
        par = m % NBUF
        b0, base_c = chunk_base(m)
        b1 = jnp.minimum(b0 + CHUNK, r_hi)

        chunk_copy(m).wait()

        @pl.when(m + NBUF - 1 < nchunks)
        def _():
            start_chunk(m + NBUF - 1)

        n_started = plsc.all_reduce_population_count(head < b1)
        jB = n_started[0] - 1

        def per_segment(j2, acc):
            bounds = starts_v[pl.ds(j2, NLANE)]
            g0 = jnp.maximum(bounds[0], b0) - base_c
            g1 = jnp.minimum(bounds[1], b1) - base_c

            def row_body(r, acc):
                return tuple(
                    jnp.maximum(acc[u],
                                rows_v[par, r, pl.ds(u * NLANE, NLANE)])
                    for u in range(NVREG))

            acc = lax.fori_loop(g0, g1, row_body, acc)
            for u in range(NVREG):
                out_v[j2, pl.ds(u * NLANE, NLANE)] = acc[u]
            done = bounds[1] <= b1
            return tuple(jnp.where(done, neg, a) for a in acc)

        acc1 = lax.fori_loop(j, jB + 1, per_segment, acc0)
        endB = starts_v[pl.ds(jB, NLANE)]
        j_next = jB + (endB[1] <= b1).astype(jnp.int32)
        return (j_next,) + acc1

    init = (jnp.int32(0),) + tuple(neg for _ in range(NVREG))
    lax.fori_loop(0, nchunks, per_chunk, init)

    pltpu.sync_copy(out_v, out_hbm.at[pl.ds(seg_base, SEG_PER_W)])


def _sc_fused(embs_hbm, idx_hbm, out_hbm, starts_v, out_v, pos_v, probes_v,
              sem, sems):
    def phase_a(idx_v):
        _sc_starts(idx_hbm, idx_v, pos_v, probes_v, starts_v, sem)

    pl.run_scoped(phase_a, pltpu.VMEM((NSLOT * SLOT,), jnp.int32))

    def phase_b(rows_v):
        _sc_segment_max(embs_hbm, out_hbm, starts_v, rows_v, out_v, sems)

    pl.run_scoped(phase_b, pltpu.VMEM((NBUF, CHUNKB, D), jnp.float32))


@jax.jit
def kernel(embs, batch_idx):
    idx = batch_idx.astype(jnp.int32)
    mesh = plsc.VectorSubcoreMesh(core_axis_name="c", subcore_axis_name="s")

    run = pl.kernel(
        _sc_fused,
        mesh=mesh,
        out_type=jax.ShapeDtypeStruct((NSEG, D), jnp.float32),
        scratch_types=[
            pltpu.VMEM((STARTS_PER_W,), jnp.int32),
            pltpu.VMEM((SEG_PER_W, D), jnp.float32),
            pltpu.VMEM((NLANE,), jnp.int32),
            pltpu.VMEM((NLANE,), jnp.int32),
            pltpu.SemaphoreType.DMA,
            pltpu.SemaphoreType.DMA((NBUF,)),
        ],
        compiler_params=pltpu.CompilerParams(needs_layout_passes=False),
    )
    return run(embs, idx)

# --- scband reference (transcript-rebuilt; emitter-appended) ---
"""Pipeline reference for scband-max-graph-pooling-12111807775096 (READ-ONLY COPY).

The authoritative reference and input builder live on the scoring server;
editing this copy changes nothing except your own understanding.
"""

import jax, jax.numpy as jnp
import numpy as np

NUM_SEGMENTS = 512

def setup_inputs(seed: int = 0) -> dict:
    key = jax.random.key(seed)
    k1, k2 = jax.random.split(key)
    embs = jax.random.normal(k1, (100000, 128), dtype=jnp.float32)
    batch_idx = jnp.sort(jax.random.randint(k2, (100000,), 0, NUM_SEGMENTS, dtype=jnp.int64))
    return {"embs": embs, "batch_idx": batch_idx}

def reference(embs, batch_idx):
    # MaxGraphPooling.forward: out, argmax = scatter_max(embs, batch_idx, dim=0); return out
    out = jax.ops.segment_max(embs, batch_idx, num_segments=NUM_SEGMENTS, indices_are_sorted=True)
    return out

if __name__ == "__main__":
    import jax
    _d = setup_inputs()
    print(jax.jit(kernel)(*tuple(_d.values())))

</pallas_src>

<mosaic_0001>
#map = affine_map<(d0, d1) -> (0, 0)>
#map1 = affine_map<(d0, d1) -> (0)>
module attributes {stable_mosaic.version = 14 : i64} {
  func.func @_sc_fused(%arg0: i32, %arg1: i32, %arg2: memref<100000x128xf32, #tpu.memory_space<hbm>>, %arg3: memref<100000xi32, #tpu.memory_space<hbm>>, %arg4: memref<512x128xf32, #tpu.memory_space<hbm>>, %arg5: memref<32xi32, #tpu.memory_space<vmem>>, %arg6: memref<16x128xf32, #tpu.memory_space<vmem>>, %arg7: memref<16xi32, #tpu.memory_space<vmem>>, %arg8: memref<16xi32, #tpu.memory_space<vmem>>, %arg9: memref<!tpu.dma_semaphore, #tpu.memory_space<semaphore_mem>>, %arg10: memref<3x!tpu.dma_semaphore, #tpu.memory_space<semaphore_mem>>) attributes {dimension_semantics = [#tpu.dimension_semantics<core_parallel>, #tpu.dimension_semantics<subcore_parallel>], iteration_bounds = array<i64: 2, 16>, scalar_prefetch = 0 : i64, scratch_operands = 6 : i64, tpu.core_type = #tpu.core_type<sc_vector_subcore>, window_params = [{transform_indices = #map}, {transform_indices = #map1}, {transform_indices = #map}]} {
    "tpu.region"() ({
      %run_scoped3A = memref.alloca() : memref<102400xi32, #tpu.memory_space<vmem>>
      %mul3A = arith.constant 2 : i32
      %mul3A_0 = arith.muli %arg1, %mul3A : i32
      %add3A = arith.addi %mul3A_0, %arg0 : i32
      %iota3A = tpu.iota {dimensions = array<i32: 0>} : vector<16xi32>
      %add3A_1 = arith.constant 1 : i32
      %add3A_2 = vector.broadcast %add3A_1 : i32 to vector<16xi32>
      %add3A_3 = arith.addi %iota3A, %add3A_2 : vector<16xi32>
      %mul3A_4 = arith.constant 6400 : i32
      %mul3A_5 = vector.broadcast %mul3A_4 : i32 to vector<16xi32>
      %mul3A_6 = arith.muli %add3A_3, %mul3A_5 : vector<16xi32>
      %min3A = arith.constant 96000 : i32
      %min3A_7 = vector.broadcast %min3A : i32 to vector<16xi32>
      %min3A_8 = arith.minsi %mul3A_6, %min3A_7 : vector<16xi32>
      %swap3A = arith.constant 0 : index
      %swap3A_9 = tpu.vector_load %arg7[%swap3A] {strides = array<i32>} : memref<16xi32, #tpu.memory_space<vmem>>, vector<16xi32>,
      tpu.vector_store %arg7[%swap3A], %min3A_8 {strides = array<i32>} : memref<16xi32, #tpu.memory_space<vmem>>, vector<16xi32>,
      %dma_start3A = arith.constant 0 : i32
      %dma_start3A_10 = tpu.memref_slice %arg3[%dma_start3A] : memref<100000xi32, #tpu.memory_space<hbm>> -> memref<100000xi32, #tpu.memory_space<hbm>>
      tpu.enqueue_indirect_dma source(%dma_start3A_10 : memref<100000xi32, #tpu.memory_space<hbm>>) target(%arg8 : memref<16xi32, #tpu.memory_space<vmem>>) offsets(%arg7 : memref<16xi32, #tpu.memory_space<vmem>>) semaphore(%arg9 : memref<!tpu.dma_semaphore, #tpu.memory_space<semaphore_mem>>)
      %dma_wait3A = arith.constant 0 : i32
      %dma_wait3A_11 = tpu.memref_slice %arg3[%dma_wait3A] : memref<100000xi32, #tpu.memory_space<hbm>> -> memref<100000xi32, #tpu.memory_space<hbm>>
      tpu.wait_indirect_dma semaphore(%arg9 : memref<!tpu.dma_semaphore, #tpu.memory_space<semaphore_mem>>) src(%dma_wait3A_11 : memref<100000xi32, #tpu.memory_space<hbm>>) dst(%arg8 : memref<16xi32, #tpu.memory_space<vmem>>)
      %broadcast_in_dim3A = arith.constant 1073741824 : i32
      %broadcast_in_dim3A_12 = vector.broadcast %broadcast_in_dim3A : i32 to vector<16xi32>
      %lt3A = arith.constant 15 : i32
      %lt3A_13 = vector.broadcast %lt3A : i32 to vector<16xi32>
      %lt3A_14 = arith.cmpi slt, %iota3A, %lt3A_13 : vector<16xi32>
      %get3A = arith.constant 0 : index
      %get3A_15 = tpu.vector_load %arg8[%get3A] {strides = array<i32>} : memref<16xi32, #tpu.memory_space<vmem>>, vector<16xi32>,
      %select_n3A = arith.select %lt3A_14, %get3A_15, %broadcast_in_dim3A_12 : vector<16xi1>, vector<16xi32>
      %mul3A_16 = arith.constant 16 : i32
      %mul3A_17 = arith.muli %add3A, %mul3A_16 : i32
      %add3A_18 = arith.constant 16 : i32
      %add3A_19 = arith.addi %mul3A_17, %add3A_18 : i32
      %lt3A_20 = vector.broadcast %mul3A_17 : i32 to vector<16xi32>
      %lt3A_21 = arith.cmpi slt, %select_n3A, %lt3A_20 : vector<16xi32>
      %all_reduce_population_count3A = tpu.all_reduce %lt3A_21 {dim = 0 : i64, kind = #tpu.reduction_kind<sum>} : vector<16xi1> -> vector<16xi32>
      %slice3A = vector.extract_strided_slice %all_reduce_population_count3A {offsets = [0], sizes = [1], strides = [1]} : vector<16xi32> to vector<1xi32>
      %squeeze3A = vector.extract %slice3A[0] : i32 from vector<1xi32>
      %lt3A_22 = vector.broadcast %add3A_19 : i32 to vector<16xi32>
      %lt3A_23 = arith.cmpi slt, %select_n3A, %lt3A_22 : vector<16xi32>
      %all_reduce_population_count3A_24 = tpu.all_reduce %lt3A_23 {dim = 0 : i64, kind = #tpu.reduction_kind<sum>} : vector<16xi1> -> vector<16xi32>
      %slice3A_25 = vector.extract_strided_slice %all_reduce_population_count3A_24 {offsets = [0], sizes = [1], strides = [1]} : vector<16xi32> to vector<1xi32>
      %squeeze3A_26 = vector.extract %slice3A_25[0] : i32 from vector<1xi32>
      %mul3A_27 = arith.constant 6400 : i32
      %mul3A_28 = arith.muli %squeeze3A, %mul3A_27 : i32
      %add3A_29 = arith.constant 1 : i32
      %add3A_30 = arith.addi %squeeze3A_26, %add3A_29 : i32
      %mul3A_31 = arith.constant 6400 : i32
      %mul3A_32 = arith.muli %add3A_30, %mul3A_31 : i32
      %min3A_33 = arith.constant 100000 : i32
      %min3A_34 = arith.minsi %mul3A_32, %min3A_33 : i32
      %add3A_35 = arith.constant 1 : i32
      %add3A_36 = arith.addi %squeeze3A_26, %add3A_35 : i32
      %while3A = arith.constant 0 : i32
      %while3A_37 = arith.subi %add3A_36, %squeeze3A : i32
      %while3A_38 = arith.addi %squeeze3A, %while3A_37 : i32
      %while3A_39 = arith.constant 1 : i32
      %while3A_40 = arith.divsi %while3A_37, %while3A_39 : i32
      %while3A_41 = arith.muli %while3A_40, %while3A_39 : i32
      %while3A_42 = arith.addi %squeeze3A, %while3A_41 : i32
      %while3A_43 = arith.constant 1 : i32
      %while3A_44 = scf.for %while3A_86 = %squeeze3A to %while3A_42 step %while3A_43 iter_args(%while3A_87 = %while3A) -> (i32)  : i32 {
        %sub3A = arith.subi %while3A_86, %squeeze3A : i32
        %mul3A_88 = arith.constant 6400 : i32
        %mul3A_89 = arith.muli %sub3A, %mul3A_88 : i32
        %multiple_of3A = tpu.assume_multiple %mul3A_89, 8 : i32
        %mul3A_90 = arith.constant 6400 : i32
        %mul3A_91 = arith.muli %while3A_86, %mul3A_90 : i32
        %multiple_of3A_92 = tpu.assume_multiple %mul3A_91, 8 : i32
        %lt3A_93 = arith.constant 15 : i32
        %lt3A_94 = arith.cmpi slt, %while3A_86, %lt3A_93 : i32
        %convert_element_type3A = arith.extui %lt3A_94 : i1 to i32
        %cond3A = arith.constant 0 : i32
        %cond3A_95 = arith.cmpi ne, %convert_element_type3A, %cond3A : i32
        scf.if %cond3A_95 {
          "tpu.region"() ({
            %run_scoped3A_101 = tpu.sem_alloc : memref<!tpu.dma_semaphore, #tpu.memory_space<semaphore_mem>>
            %dma_start3A_102 = tpu.memref_slice %run_scoped3A[%multiple_of3A] : memref<102400xi32, #tpu.memory_space<vmem>> -> memref<6400xi32, #tpu.memory_space<vmem>>
            %dma_start3A_103 = tpu.memref_slice %arg3[%multiple_of3A_92] : memref<100000xi32, #tpu.memory_space<hbm>> -> memref<6400xi32, #tpu.memory_space<hbm>>
            %dma_start3A_104 = tpu.memref_slice %run_scoped3A[%multiple_of3A] : memref<102400xi32, #tpu.memory_space<vmem>> -> memref<6400xi32, #tpu.memory_space<vmem>>
            %dma_start3A_105 = tpu.memref_slice %arg3[%multiple_of3A_92] : memref<100000xi32, #tpu.memory_space<hbm>> -> memref<6400xi32, #tpu.memory_space<hbm>>
            tpu.enqueue_dma source(%dma_start3A_105 : memref<6400xi32, #tpu.memory_space<hbm>>) target(%dma_start3A_104 : memref<6400xi32, #tpu.memory_space<vmem>>) target_semaphore(%run_scoped3A_101 : memref<!tpu.dma_semaphore, #tpu.memory_space<semaphore_mem>>)
            %dma_wait3A_106 = tpu.memref_slice %run_scoped3A[%multiple_of3A] : memref<102400xi32, #tpu.memory_space<vmem>> -> memref<6400xi32, #tpu.memory_space<vmem>>
            %dma_wait3A_107 = tpu.memref_slice %arg3[%multiple_of3A_92] : memref<100000xi32, #tpu.memory_space<hbm>> -> memref<6400xi32, #tpu.memory_space<hbm>>
            %dma_wait3A_108 = tpu.memref_slice %run_scoped3A[%multiple_of3A] : memref<102400xi32, #tpu.memory_space<vmem>> -> memref<6400xi32, #tpu.memory_space<vmem>>
            %dma_wait3A_109 = tpu.memref_slice %arg3[%multiple_of3A_92] : memref<100000xi32, #tpu.memory_space<hbm>> -> memref<6400xi32, #tpu.memory_space<hbm>>
            tpu.wait_dma2 semaphore(%run_scoped3A_101 : memref<!tpu.dma_semaphore, #tpu.memory_space<semaphore_mem>>) src(%dma_wait3A_109 : memref<6400xi32, #tpu.memory_space<hbm>>) dst(%dma_wait3A_108 : memref<6400xi32, #tpu.memory_space<vmem>>)
            tpu.yield
          }) : () -> ()
        } else {
        }
        %ge3A = arith.constant 15 : i32
        %ge3A_96 = arith.cmpi sge, %while3A_86, %ge3A : i32
        %convert_element_type3A_97 = arith.extui %ge3A_96 : i1 to i32
        %cond3A_98 = arith.constant 0 : i32
        %cond3A_99 = arith.cmpi ne, %convert_element_type3A_97, %cond3A_98 : i32
        scf.if %cond3A_99 {
          "tpu.region"() ({
            %run_scoped3A_101 = tpu.sem_alloc : memref<!tpu.dma_semaphore, #tpu.memory_space<semaphore_mem>>
            %dma_start3A_102 = tpu.memref_slice %run_scoped3A[%multiple_of3A] : memref<102400xi32, #tpu.memory_space<vmem>> -> memref<4000xi32, #tpu.memory_space<vmem>>
            %dma_start3A_103 = tpu.memref_slice %arg3[%multiple_of3A_92] : memref<100000xi32, #tpu.memory_space<hbm>> -> memref<4000xi32, #tpu.memory_space<hbm>>
            %dma_start3A_104 = tpu.memref_slice %run_scoped3A[%multiple_of3A] : memref<102400xi32, #tpu.memory_space<vmem>> -> memref<4000xi32, #tpu.memory_space<vmem>>
            %dma_start3A_105 = tpu.memref_slice %arg3[%multiple_of3A_92] : memref<100000xi32, #tpu.memory_space<hbm>> -> memref<4000xi32, #tpu.memory_space<hbm>>
            tpu.enqueue_dma source(%dma_start3A_105 : memref<4000xi32, #tpu.memory_space<hbm>>) target(%dma_start3A_104 : memref<4000xi32, #tpu.memory_space<vmem>>) target_semaphore(%run_scoped3A_101 : memref<!tpu.dma_semaphore, #tpu.memory_space<semaphore_mem>>)
            %dma_wait3A_106 = tpu.memref_slice %run_scoped3A[%multiple_of3A] : memref<102400xi32, #tpu.memory_space<vmem>> -> memref<4000xi32, #tpu.memory_space<vmem>>
            %dma_wait3A_107 = tpu.memref_slice %arg3[%multiple_of3A_92] : memref<100000xi32, #tpu.memory_space<hbm>> -> memref<4000xi32, #tpu.memory_space<hbm>>
            %dma_wait3A_108 = tpu.memref_slice %run_scoped3A[%multiple_of3A] : memref<102400xi32, #tpu.memory_space<vmem>> -> memref<4000xi32, #tpu.memory_space<vmem>>
            %dma_wait3A_109 = tpu.memref_slice %arg3[%multiple_of3A_92] : memref<100000xi32, #tpu.memory_space<hbm>> -> memref<4000xi32, #tpu.memory_space<hbm>>
            tpu.wait_dma2 semaphore(%run_scoped3A_101 : memref<!tpu.dma_semaphore, #tpu.memory_space<semaphore_mem>>) src(%dma_wait3A_109 : memref<4000xi32, #tpu.memory_space<hbm>>) dst(%dma_wait3A_108 : memref<4000xi32, #tpu.memory_space<vmem>>)
            tpu.yield
          }) : () -> ()
        } else {
        }
        %while3A_100 = arith.constant 0 : i32
        scf.yield %while3A_100 : i32
      }
      %while3A_45 = arith.constant 1 : i32
      %while3A_46 = scf.for %while3A_86 = %while3A_42 to %while3A_38 step %while3A_45 iter_args(%while3A_87 = %while3A_44) -> (i32)  : i32 {
        %sub3A = arith.subi %while3A_86, %squeeze3A : i32
        %mul3A_88 = arith.constant 6400 : i32
        %mul3A_89 = arith.muli %sub3A, %mul3A_88 : i32
        %multiple_of3A = tpu.assume_multiple %mul3A_89, 8 : i32
        %mul3A_90 = arith.constant 6400 : i32
        %mul3A_91 = arith.muli %while3A_86, %mul3A_90 : i32
        %multiple_of3A_92 = tpu.assume_multiple %mul3A_91, 8 : i32
        %lt3A_93 = arith.constant 15 : i32
        %lt3A_94 = arith.cmpi slt, %while3A_86, %lt3A_93 : i32
        %convert_element_type3A = arith.extui %lt3A_94 : i1 to i32
        %cond3A = arith.constant 0 : i32
        %cond3A_95 = arith.cmpi ne, %convert_element_type3A, %cond3A : i32
        scf.if %cond3A_95 {
          "tpu.region"() ({
            %run_scoped3A_101 = tpu.sem_alloc : memref<!tpu.dma_semaphore, #tpu.memory_space<semaphore_mem>>
            %dma_start3A_102 = tpu.memref_slice %run_scoped3A[%multiple_of3A] : memref<102400xi32, #tpu.memory_space<vmem>> -> memref<6400xi32, #tpu.memory_space<vmem>>
            %dma_start3A_103 = tpu.memref_slice %arg3[%multiple_of3A_92] : memref<100000xi32, #tpu.memory_space<hbm>> -> memref<6400xi32, #tpu.memory_space<hbm>>
            %dma_start3A_104 = tpu.memref_slice %run_scoped3A[%multiple_of3A] : memref<102400xi32, #tpu.memory_space<vmem>> -> memref<6400xi32, #tpu.memory_space<vmem>>
            %dma_start3A_105 = tpu.memref_slice %arg3[%multiple_of3A_92] : memref<100000xi32, #tpu.memory_space<hbm>> -> memref<6400xi32, #tpu.memory_space<hbm>>
            tpu.enqueue_dma source(%dma_start3A_105 : memref<6400xi32, #tpu.memory_space<hbm>>) target(%dma_start3A_104 : memref<6400xi32, #tpu.memory_space<vmem>>) target_semaphore(%run_scoped3A_101 : memref<!tpu.dma_semaphore, #tpu.memory_space<semaphore_mem>>)
            %dma_wait3A_106 = tpu.memref_slice %run_scoped3A[%multiple_of3A] : memref<102400xi32, #tpu.memory_space<vmem>> -> memref<6400xi32, #tpu.memory_space<vmem>>
            %dma_wait3A_107 = tpu.memref_slice %arg3[%multiple_of3A_92] : memref<100000xi32, #tpu.memory_space<hbm>> -> memref<6400xi32, #tpu.memory_space<hbm>>
            %dma_wait3A_108 = tpu.memref_slice %run_scoped3A[%multiple_of3A] : memref<102400xi32, #tpu.memory_space<vmem>> -> memref<6400xi32, #tpu.memory_space<vmem>>
            %dma_wait3A_109 = tpu.memref_slice %arg3[%multiple_of3A_92] : memref<100000xi32, #tpu.memory_space<hbm>> -> memref<6400xi32, #tpu.memory_space<hbm>>
            tpu.wait_dma2 semaphore(%run_scoped3A_101 : memref<!tpu.dma_semaphore, #tpu.memory_space<semaphore_mem>>) src(%dma_wait3A_109 : memref<6400xi32, #tpu.memory_space<hbm>>) dst(%dma_wait3A_108 : memref<6400xi32, #tpu.memory_space<vmem>>)
            tpu.yield
          }) : () -> ()
        } else {
        }
        %ge3A = arith.constant 15 : i32
        %ge3A_96 = arith.cmpi sge, %while3A_86, %ge3A : i32
        %convert_element_type3A_97 = arith.extui %ge3A_96 : i1 to i32
        %cond3A_98 = arith.constant 0 : i32
        %cond3A_99 = arith.cmpi ne, %convert_element_type3A_97, %cond3A_98 : i32
        scf.if %cond3A_99 {
          "tpu.region"() ({
            %run_scoped3A_101 = tpu.sem_alloc : memref<!tpu.dma_semaphore, #tpu.memory_space<semaphore_mem>>
            %dma_start3A_102 = tpu.memref_slice %run_scoped3A[%multiple_of3A] : memref<102400xi32, #tpu.memory_space<vmem>> -> memref<4000xi32, #tpu.memory_space<vmem>>
            %dma_start3A_103 = tpu.memref_slice %arg3[%multiple_of3A_92] : memref<100000xi32, #tpu.memory_space<hbm>> -> memref<4000xi32, #tpu.memory_space<hbm>>
            %dma_start3A_104 = tpu.memref_slice %run_scoped3A[%multiple_of3A] : memref<102400xi32, #tpu.memory_space<vmem>> -> memref<4000xi32, #tpu.memory_space<vmem>>
            %dma_start3A_105 = tpu.memref_slice %arg3[%multiple_of3A_92] : memref<100000xi32, #tpu.memory_space<hbm>> -> memref<4000xi32, #tpu.memory_space<hbm>>
            tpu.enqueue_dma source(%dma_start3A_105 : memref<4000xi32, #tpu.memory_space<hbm>>) target(%dma_start3A_104 : memref<4000xi32, #tpu.memory_space<vmem>>) target_semaphore(%run_scoped3A_101 : memref<!tpu.dma_semaphore, #tpu.memory_space<semaphore_mem>>)
            %dma_wait3A_106 = tpu.memref_slice %run_scoped3A[%multiple_of3A] : memref<102400xi32, #tpu.memory_space<vmem>> -> memref<4000xi32, #tpu.memory_space<vmem>>
            %dma_wait3A_107 = tpu.memref_slice %arg3[%multiple_of3A_92] : memref<100000xi32, #tpu.memory_space<hbm>> -> memref<4000xi32, #tpu.memory_space<hbm>>
            %dma_wait3A_108 = tpu.memref_slice %run_scoped3A[%multiple_of3A] : memref<102400xi32, #tpu.memory_space<vmem>> -> memref<4000xi32, #tpu.memory_space<vmem>>
            %dma_wait3A_109 = tpu.memref_slice %arg3[%multiple_of3A_92] : memref<100000xi32, #tpu.memory_space<hbm>> -> memref<4000xi32, #tpu.memory_space<hbm>>
            tpu.wait_dma2 semaphore(%run_scoped3A_101 : memref<!tpu.dma_semaphore, #tpu.memory_space<semaphore_mem>>) src(%dma_wait3A_109 : memref<4000xi32, #tpu.memory_space<hbm>>) dst(%dma_wait3A_108 : memref<4000xi32, #tpu.memory_space<vmem>>)
            tpu.yield
          }) : () -> ()
        } else {
        }
        %while3A_100 = arith.constant 0 : i32
        scf.yield %while3A_100 : i32
      }
      %add3A_47 = arith.constant 0 : i32
      %add3A_48 = arith.addi %mul3A_17, %add3A_47 : i32
      %add3A_49 = vector.broadcast %add3A_48 : i32 to vector<16xi32>
      %add3A_50 = arith.addi %add3A_49, %iota3A : vector<16xi32>
      %broadcast_in_dim3A_51 = arith.constant -1 : i32
      %broadcast_in_dim3A_52 = vector.broadcast %broadcast_in_dim3A_51 : i32 to vector<16xi32>
      %add3A_53 = vector.broadcast %mul3A_28 : i32 to vector<16xi32>
      %add3A_54 = arith.addi %broadcast_in_dim3A_52, %add3A_53 : vector<16xi32>
      %broadcast_in_dim3A_55 = arith.constant 0 : i32
      %broadcast_in_dim3A_56 = vector.broadcast %broadcast_in_dim3A_55 : i32 to vector<16xi32>
      %add3A_57 = vector.broadcast %min3A_34 : i32 to vector<16xi32>
      %add3A_58 = arith.addi %broadcast_in_dim3A_56, %add3A_57 : vector<16xi32>
      %scan3A = arith.constant 0 : i32
      %scan3A_59 = arith.constant 17 : i32
      %scan3A_60 = arith.addi %scan3A, %scan3A_59 : i32
      %scan3A_61 = arith.constant 1 : i32
      %scan3A_62:2 = scf.for %scan3A_86 = %scan3A to %scan3A_60 step %scan3A_61 iter_args(%scan3A_87 = %add3A_54, %scan3A_88 = %add3A_58) -> (vector<16xi32>, vector<16xi32>)  : i32 {
        %add3A_89 = arith.addi %scan3A_87, %scan3A_88 : vector<16xi32>
        %jit3A = arith.constant 2 : i32
        %div3A = vector.broadcast %jit3A : i32 to vector<16xi32>
        %div3A_90 = arith.divsi %add3A_89, %div3A : vector<16xi32>
        %sign3A = arith.constant 0 : i32
        %sign3A_91 = vector.broadcast %sign3A : i32 to vector<16xi32>
        %sign3A_92 = arith.cmpi sgt, %add3A_89, %sign3A_91 : vector<16xi32>
        %sign3A_93 = arith.extui %sign3A_92 : vector<16xi1> to vector<16xi32>
        %sign3A_94 = arith.constant 0 : i32
        %sign3A_95 = vector.broadcast %sign3A_94 : i32 to vector<16xi32>
        %sign3A_96 = arith.cmpi slt, %add3A_89, %sign3A_95 : vector<16xi32>
        %sign3A_97 = arith.extui %sign3A_96 : vector<16xi1> to vector<16xi32>
        %sign3A_98 = arith.subi %sign3A_93, %sign3A_97 : vector<16xi32>
        %sign3A_99 = arith.constant 0 : i32
        %sign3A_100 = arith.cmpi sgt, %jit3A, %sign3A_99 : i32
        %sign3A_101 = arith.extui %sign3A_100 : i1 to i32
        %sign3A_102 = arith.constant 0 : i32
        %sign3A_103 = arith.cmpi slt, %jit3A, %sign3A_102 : i32
        %sign3A_104 = arith.extui %sign3A_103 : i1 to i32
        %sign3A_105 = arith.subi %sign3A_101, %sign3A_104 : i32
        %ne3A = vector.broadcast %sign3A_105 : i32 to vector<16xi32>
        %ne3A_106 = arith.cmpi ne, %sign3A_98, %ne3A : vector<16xi32>
        %rem3A = vector.broadcast %jit3A : i32 to vector<16xi32>
        %rem3A_107 = arith.remsi %add3A_89, %rem3A : vector<16xi32>
        %ne3A_108 = arith.constant 0 : i32
        %ne3A_109 = vector.broadcast %ne3A_108 : i32 to vector<16xi32>
        %ne3A_110 = arith.cmpi ne, %rem3A_107, %ne3A_109 : vector<16xi32>
        %and3A = arith.andi %ne3A_106, %ne3A_110 : vector<16xi1>
        %sub3A = arith.constant 1 : i32
        %sub3A_111 = vector.broadcast %sub3A : i32 to vector<16xi32>
        %sub3A_112 = arith.subi %div3A_90, %sub3A_111 : vector<16xi32>
        %select_n3A_113 = arith.select %and3A, %sub3A_112, %div3A_90 : vector<16xi1>, vector<16xi32>
        %max3A = vector.broadcast %mul3A_28 : i32 to vector<16xi32>
        %max3A_114 = arith.maxsi %select_n3A_113, %max3A : vector<16xi32>
        %sub3A_115 = vector.broadcast %mul3A_28 : i32 to vector<16xi32>
        %sub3A_116 = arith.subi %max3A_114, %sub3A_115 : vector<16xi32>
        %gather3A = tpu.vector_load_idx %run_scoped3A[%sub3A_116] : memref<102400xi32, #tpu.memory_space<vmem>>[vector<16xi32>], vector<16xi32>,
        %lt3A_117 = arith.cmpi slt, %gather3A, %add3A_50 : vector<16xi32>
        %select_n3A_118 = arith.select %lt3A_117, %max3A_114, %scan3A_87 : vector<16xi1>, vector<16xi32>
        %select_n3A_119 = arith.select %lt3A_117, %scan3A_88, %max3A_114 : vector<16xi1>, vector<16xi32>
        scf.yield %select_n3A_118, %select_n3A_119 : vector<16xi32>, vector<16xi32>
      }
      %scan3A_63 = arith.constant 17 : i32
      %swap3A_64 = arith.constant 0 : index
      %swap3A_65 = tpu.vector_load %arg5[%swap3A_64] {strides = array<i32>} : memref<32xi32, #tpu.memory_space<vmem>>, vector<16xi32>,
      tpu.vector_store %arg5[%swap3A_64], %scan3A_62#1 {strides = array<i32>} : memref<32xi32, #tpu.memory_space<vmem>>, vector<16xi32>,
      %add3A_66 = arith.constant 16 : i32
      %add3A_67 = arith.addi %mul3A_17, %add3A_66 : i32
      %add3A_68 = vector.broadcast %add3A_67 : i32 to vector<16xi32>
      %add3A_69 = arith.addi %add3A_68, %iota3A : vector<16xi32>
      %broadcast_in_dim3A_70 = arith.constant -1 : i32
      %broadcast_in_dim3A_71 = vector.broadcast %broadcast_in_dim3A_70 : i32 to vector<16xi32>
      %add3A_72 = vector.broadcast %mul3A_28 : i32 to vector<16xi32>
      %add3A_73 = arith.addi %broadcast_in_dim3A_71, %add3A_72 : vector<16xi32>
      %broadcast_in_dim3A_74 = arith.constant 0 : i32
      %broadcast_in_dim3A_75 = vector.broadcast %broadcast_in_dim3A_74 : i32 to vector<16xi32>
      %add3A_76 = vector.broadcast %min3A_34 : i32 to vector<16xi32>
      %add3A_77 = arith.addi %broadcast_in_dim3A_75, %add3A_76 : vector<16xi32>
      %scan3A_78 = arith.constant 0 : i32
      %scan3A_79 = arith.constant 17 : i32
      %scan3A_80 = arith.addi %scan3A_78, %scan3A_79 : i32
      %scan3A_81 = arith.constant 1 : i32
      %scan3A_82:2 = scf.for %scan3A_86 = %scan3A_78 to %scan3A_80 step %scan3A_81 iter_args(%scan3A_87 = %add3A_73, %scan3A_88 = %add3A_77) -> (vector<16xi32>, vector<16xi32>)  : i32 {
        %add3A_89 = arith.addi %scan3A_87, %scan3A_88 : vector<16xi32>
        %jit3A = arith.constant 2 : i32
        %div3A = vector.broadcast %jit3A : i32 to vector<16xi32>
        %div3A_90 = arith.divsi %add3A_89, %div3A : vector<16xi32>
        %sign3A = arith.constant 0 : i32
        %sign3A_91 = vector.broadcast %sign3A : i32 to vector<16xi32>
        %sign3A_92 = arith.cmpi sgt, %add3A_89, %sign3A_91 : vector<16xi32>
        %sign3A_93 = arith.extui %sign3A_92 : vector<16xi1> to vector<16xi32>
        %sign3A_94 = arith.constant 0 : i32
        %sign3A_95 = vector.broadcast %sign3A_94 : i32 to vector<16xi32>
        %sign3A_96 = arith.cmpi slt, %add3A_89, %sign3A_95 : vector<16xi32>
        %sign3A_97 = arith.extui %sign3A_96 : vector<16xi1> to vector<16xi32>
        %sign3A_98 = arith.subi %sign3A_93, %sign3A_97 : vector<16xi32>
        %sign3A_99 = arith.constant 0 : i32
        %sign3A_100 = arith.cmpi sgt, %jit3A, %sign3A_99 : i32
        %sign3A_101 = arith.extui %sign3A_100 : i1 to i32
        %sign3A_102 = arith.constant 0 : i32
        %sign3A_103 = arith.cmpi slt, %jit3A, %sign3A_102 : i32
        %sign3A_104 = arith.extui %sign3A_103 : i1 to i32
        %sign3A_105 = arith.subi %sign3A_101, %sign3A_104 : i32
        %ne3A = vector.broadcast %sign3A_105 : i32 to vector<16xi32>
        %ne3A_106 = arith.cmpi ne, %sign3A_98, %ne3A : vector<16xi32>
        %rem3A = vector.broadcast %jit3A : i32 to vector<16xi32>
        %rem3A_107 = arith.remsi %add3A_89, %rem3A : vector<16xi32>
        %ne3A_108 = arith.constant 0 : i32
        %ne3A_109 = vector.broadcast %ne3A_108 : i32 to vector<16xi32>
        %ne3A_110 = arith.cmpi ne, %rem3A_107, %ne3A_109 : vector<16xi32>
        %and3A = arith.andi %ne3A_106, %ne3A_110 : vector<16xi1>
        %sub3A = arith.constant 1 : i32
        %sub3A_111 = vector.broadcast %sub3A : i32 to vector<16xi32>
        %sub3A_112 = arith.subi %div3A_90, %sub3A_111 : vector<16xi32>
        %select_n3A_113 = arith.select %and3A, %sub3A_112, %div3A_90 : vector<16xi1>, vector<16xi32>
        %max3A = vector.broadcast %mul3A_28 : i32 to vector<16xi32>
        %max3A_114 = arith.maxsi %select_n3A_113, %max3A : vector<16xi32>
        %sub3A_115 = vector.broadcast %mul3A_28 : i32 to vector<16xi32>
        %sub3A_116 = arith.subi %max3A_114, %sub3A_115 : vector<16xi32>
        %gather3A = tpu.vector_load_idx %run_scoped3A[%sub3A_116] : memref<102400xi32, #tpu.memory_space<vmem>>[vector<16xi32>], vector<16xi32>,
        %lt3A_117 = arith.cmpi slt, %gather3A, %add3A_69 : vector<16xi32>
        %select_n3A_118 = arith.select %lt3A_117, %max3A_114, %scan3A_87 : vector<16xi1>, vector<16xi32>
        %select_n3A_119 = arith.select %lt3A_117, %scan3A_88, %max3A_114 : vector<16xi1>, vector<16xi32>
        scf.yield %select_n3A_118, %select_n3A_119 : vector<16xi32>, vector<16xi32>
      }
      %scan3A_83 = arith.constant 17 : i32
      %swap3A_84 = arith.constant 16 : index
      %swap3A_85 = tpu.vector_load %arg5[%swap3A_84] {strides = array<i32>} : memref<32xi32, #tpu.memory_space<vmem>>, vector<16xi32>,
      tpu.vector_store %arg5[%swap3A_84], %scan3A_82#1 {strides = array<i32>} : memref<32xi32, #tpu.memory_space<vmem>>, vector<16xi32>,
      tpu.yield
    }) : () -> ()
    "tpu.region"() ({
      %run_scoped3A = memref.alloca() : memref<3x328x128xf32, #tpu.memory_space<vmem>>
      %mul3A = arith.constant 2 : i32
      %mul3A_0 = arith.muli %arg1, %mul3A : i32
      %add3A = arith.addi %mul3A_0, %arg0 : i32
      %mul3A_1 = arith.constant 16 : i32
      %mul3A_2 = arith.muli %add3A, %mul3A_1 : i32
      %broadcast_in_dim3A = arith.constant 0xFF800000 : f32
      %broadcast_in_dim3A_3 = vector.broadcast %broadcast_in_dim3A : f32 to vector<16xf32>
      %scan3A = arith.constant 0 : i32
      %scan3A_4 = arith.constant 0 : i32
      %scan3A_5 = arith.constant 16 : i32
      %scan3A_6 = arith.addi %scan3A_4, %scan3A_5 : i32
      %scan3A_7 = arith.constant 1 : i32
      %scan3A_8 = scf.for %scan3A_54 = %scan3A_4 to %scan3A_6 step %scan3A_7 iter_args(%scan3A_55 = %scan3A) -> (i32)  : i32 {
        %swap3A = arith.index_cast %scan3A_54 : i32 to index
        %swap3A_56 = arith.constant 0 : index
        %swap3A_57 = tpu.vector_load %arg6[%swap3A, %swap3A_56] {strides = array<i32>} : memref<16x128xf32, #tpu.memory_space<vmem>>, vector<16xf32>,
        tpu.vector_store %arg6[%swap3A, %swap3A_56], %broadcast_in_dim3A_3 {strides = array<i32>} : memref<16x128xf32, #tpu.memory_space<vmem>>, vector<16xf32>,
        %swap3A_58 = arith.index_cast %scan3A_54 : i32 to index
        %swap3A_59 = arith.constant 16 : index
        %swap3A_60 = tpu.vector_load %arg6[%swap3A_58, %swap3A_59] {strides = array<i32>} : memref<16x128xf32, #tpu.memory_space<vmem>>, vector<16xf32>,
        tpu.vector_store %arg6[%swap3A_58, %swap3A_59], %broadcast_in_dim3A_3 {strides = array<i32>} : memref<16x128xf32, #tpu.memory_space<vmem>>, vector<16xf32>,
        %swap3A_61 = arith.index_cast %scan3A_54 : i32 to index
        %swap3A_62 = arith.constant 32 : index
        %swap3A_63 = tpu.vector_load %arg6[%swap3A_61, %swap3A_62] {strides = array<i32>} : memref<16x128xf32, #tpu.memory_space<vmem>>, vector<16xf32>,
        tpu.vector_store %arg6[%swap3A_61, %swap3A_62], %broadcast_in_dim3A_3 {strides = array<i32>} : memref<16x128xf32, #tpu.memory_space<vmem>>, vector<16xf32>,
        %swap3A_64 = arith.index_cast %scan3A_54 : i32 to index
        %swap3A_65 = arith.constant 48 : index
        %swap3A_66 = tpu.vector_load %arg6[%swap3A_64, %swap3A_65] {strides = array<i32>} : memref<16x128xf32, #tpu.memory_space<vmem>>, vector<16xf32>,
        tpu.vector_store %arg6[%swap3A_64, %swap3A_65], %broadcast_in_dim3A_3 {strides = array<i32>} : memref<16x128xf32, #tpu.memory_space<vmem>>, vector<16xf32>,
        %swap3A_67 = arith.index_cast %scan3A_54 : i32 to index
        %swap3A_68 = arith.constant 64 : index
        %swap3A_69 = tpu.vector_load %arg6[%swap3A_67, %swap3A_68] {strides = array<i32>} : memref<16x128xf32, #tpu.memory_space<vmem>>, vector<16xf32>,
        tpu.vector_store %arg6[%swap3A_67, %swap3A_68], %broadcast_in_dim3A_3 {strides = array<i32>} : memref<16x128xf32, #tpu.memory_space<vmem>>, vector<16xf32>,
        %swap3A_70 = arith.index_cast %scan3A_54 : i32 to index
        %swap3A_71 = arith.constant 80 : index
        %swap3A_72 = tpu.vector_load %arg6[%swap3A_70, %swap3A_71] {strides = array<i32>} : memref<16x128xf32, #tpu.memory_space<vmem>>, vector<16xf32>,
        tpu.vector_store %arg6[%swap3A_70, %swap3A_71], %broadcast_in_dim3A_3 {strides = array<i32>} : memref<16x128xf32, #tpu.memory_space<vmem>>, vector<16xf32>,
        %swap3A_73 = arith.index_cast %scan3A_54 : i32 to index
        %swap3A_74 = arith.constant 96 : index
        %swap3A_75 = tpu.vector_load %arg6[%swap3A_73, %swap3A_74] {strides = array<i32>} : memref<16x128xf32, #tpu.memory_space<vmem>>, vector<16xf32>,
        tpu.vector_store %arg6[%swap3A_73, %swap3A_74], %broadcast_in_dim3A_3 {strides = array<i32>} : memref<16x128xf32, #tpu.memory_space<vmem>>, vector<16xf32>,
        %swap3A_76 = arith.index_cast %scan3A_54 : i32 to index
        %swap3A_77 = arith.constant 112 : index
        %swap3A_78 = tpu.vector_load %arg6[%swap3A_76, %swap3A_77] {strides = array<i32>} : memref<16x128xf32, #tpu.memory_space<vmem>>, vector<16xf32>,
        tpu.vector_store %arg6[%swap3A_76, %swap3A_77], %broadcast_in_dim3A_3 {strides = array<i32>} : memref<16x128xf32, #tpu.memory_space<vmem>>, vector<16xf32>,
        %scan3A_79 = arith.constant 0 : i32
        scf.yield %scan3A_79 : i32
      }
      %scan3A_9 = arith.constant 16 : i32
      %get3A = arith.constant 0 : index
      %get3A_10 = tpu.vector_load %arg5[%get3A] {strides = array<i32>} : memref<32xi32, #tpu.memory_space<vmem>>, vector<16xi32>,
      %get3A_11 = arith.constant 16 : index
      %get3A_12 = tpu.vector_load %arg5[%get3A_11] {strides = array<i32>} : memref<32xi32, #tpu.memory_space<vmem>>, vector<16xi32>,
      %slice3A = vector.extract_strided_slice %get3A_10 {offsets = [0], sizes = [1], strides = [1]} : vector<16xi32> to vector<1xi32>
      %squeeze3A = vector.extract %slice3A[0] : i32 from vector<1xi32>
      %slice3A_13 = vector.extract_strided_slice %get3A_12 {offsets = [0], sizes = [1], strides = [1]} : vector<16xi32> to vector<1xi32>
      %squeeze3A_14 = vector.extract %slice3A_13[0] : i32 from vector<1xi32>
      %sub3A = arith.subi %squeeze3A_14, %squeeze3A : i32
      %add3A_15 = arith.constant 320 : i32
      %add3A_16 = arith.addi %sub3A, %add3A_15 : i32
      %sub3A_17 = arith.constant 1 : i32
      %sub3A_18 = arith.subi %add3A_16, %sub3A_17 : i32
      %jit3A = arith.constant 320 : i32
      %div3A = arith.divsi %sub3A_18, %jit3A : i32
      %sign3A = arith.constant 0 : i32
      %sign3A_19 = arith.cmpi sgt, %sub3A_18, %sign3A : i32
      %sign3A_20 = arith.extui %sign3A_19 : i1 to i32
      %sign3A_21 = arith.constant 0 : i32
      %sign3A_22 = arith.cmpi slt, %sub3A_18, %sign3A_21 : i32
      %sign3A_23 = arith.extui %sign3A_22 : i1 to i32
      %sign3A_24 = arith.subi %sign3A_20, %sign3A_23 : i32
      %sign3A_25 = arith.constant 0 : i32
      %sign3A_26 = arith.cmpi sgt, %jit3A, %sign3A_25 : i32
      %sign3A_27 = arith.extui %sign3A_26 : i1 to i32
      %sign3A_28 = arith.constant 0 : i32
      %sign3A_29 = arith.cmpi slt, %jit3A, %sign3A_28 : i32
      %sign3A_30 = arith.extui %sign3A_29 : i1 to i32
      %sign3A_31 = arith.subi %sign3A_27, %sign3A_30 : i32
      %ne3A = arith.cmpi ne, %sign3A_24, %sign3A_31 : i32
      %rem3A = arith.remsi %sub3A_18, %jit3A : i32
      %ne3A_32 = arith.constant 0 : i32
      %ne3A_33 = arith.cmpi ne, %rem3A, %ne3A_32 : i32
      %and3A = arith.andi %ne3A, %ne3A_33 : i1
      %sub3A_34 = arith.constant 1 : i32
      %sub3A_35 = arith.subi %div3A, %sub3A_34 : i32
      %select_n3A = arith.select %and3A, %sub3A_35, %div3A : i32
      %gt3A = arith.constant 0 : i32
      %gt3A_36 = arith.cmpi sgt, %select_n3A, %gt3A : i32
      %convert_element_type3A = arith.extui %gt3A_36 : i1 to i32
      %cond3A = arith.constant 0 : i32
      %cond3A_37 = arith.cmpi ne, %convert_element_type3A, %cond3A : i32
      scf.if %cond3A_37 {
        %add3A_54 = arith.constant 0 : i32
        %add3A_55 = arith.addi %squeeze3A, %add3A_54 : i32
        %jit3A_56 = arith.constant 8 : i32
        %div3A_57 = arith.divsi %add3A_55, %jit3A_56 : i32
        %sign3A_58 = arith.constant 0 : i32
        %sign3A_59 = arith.cmpi sgt, %add3A_55, %sign3A_58 : i32
        %sign3A_60 = arith.extui %sign3A_59 : i1 to i32
        %sign3A_61 = arith.constant 0 : i32
        %sign3A_62 = arith.cmpi slt, %add3A_55, %sign3A_61 : i32
        %sign3A_63 = arith.extui %sign3A_62 : i1 to i32
        %sign3A_64 = arith.subi %sign3A_60, %sign3A_63 : i32
        %sign3A_65 = arith.constant 0 : i32
        %sign3A_66 = arith.cmpi sgt, %jit3A_56, %sign3A_65 : i32
        %sign3A_67 = arith.extui %sign3A_66 : i1 to i32
        %sign3A_68 = arith.constant 0 : i32
        %sign3A_69 = arith.cmpi slt, %jit3A_56, %sign3A_68 : i32
        %sign3A_70 = arith.extui %sign3A_69 : i1 to i32
        %sign3A_71 = arith.subi %sign3A_67, %sign3A_70 : i32
        %ne3A_72 = arith.cmpi ne, %sign3A_64, %sign3A_71 : i32
        %rem3A_73 = arith.remsi %add3A_55, %jit3A_56 : i32
        %ne3A_74 = arith.constant 0 : i32
        %ne3A_75 = arith.cmpi ne, %rem3A_73, %ne3A_74 : i32
        %and3A_76 = arith.andi %ne3A_72, %ne3A_75 : i1
        %sub3A_77 = arith.constant 1 : i32
        %sub3A_78 = arith.subi %div3A_57, %sub3A_77 : i32
        %select_n3A_79 = arith.select %and3A_76, %sub3A_78, %div3A_57 : i32
        %mul3A_80 = arith.constant 8 : i32
        %mul3A_81 = arith.muli %select_n3A_79, %mul3A_80 : i32
        %min3A = arith.constant 99672 : i32
        %min3A_82 = arith.minsi %mul3A_81, %min3A : i32
        %multiple_of3A = tpu.assume_multiple %min3A_82, 8 : i32
        %dma_start3A = arith.constant 0 : i32
        %dma_start3A_83 = arith.constant 0 : i32
        %dma_start3A_84 = arith.constant 0 : i32
        %dma_start3A_85 = arith.constant 0 : i32
        %dma_start3A_86 = tpu.memref_slice %run_scoped3A[%dma_start3A, %dma_start3A_84, %dma_start3A_85] : memref<3x328x128xf32, #tpu.memory_space<vmem>> -> memref<1x328x128xf32, #tpu.memory_space<vmem>>
        %dma_start3A_87 = tpu.memref_squeeze %dma_start3A_86 : memref<1x328x128xf32, #tpu.memory_space<vmem>> -> memref<328x128xf32, #tpu.memory_space<vmem>>
        %dma_start3A_88 = arith.constant 0 : i32
        %dma_start3A_89 = tpu.memref_slice %arg2[%multiple_of3A, %dma_start3A_88] : memref<100000x128xf32, #tpu.memory_space<hbm>> -> memref<328x128xf32, #tpu.memory_space<hbm>>
        %dma_start3A_90 = tpu.memref_slice %arg10[%dma_start3A_83] : memref<3x!tpu.dma_semaphore, #tpu.memory_space<semaphore_mem>> -> memref<1x!tpu.dma_semaphore, #tpu.memory_space<semaphore_mem>>
        %dma_start3A_91 = tpu.memref_squeeze %dma_start3A_90 : memref<1x!tpu.dma_semaphore, #tpu.memory_space<semaphore_mem>> -> memref<!tpu.dma_semaphore, #tpu.memory_space<semaphore_mem>>
        %dma_start3A_92 = arith.constant 0 : i32
        %dma_start3A_93 = arith.constant 0 : i32
        %dma_start3A_94 = tpu.memref_slice %run_scoped3A[%dma_start3A, %dma_start3A_92, %dma_start3A_93] : memref<3x328x128xf32, #tpu.memory_space<vmem>> -> memref<1x328x128xf32, #tpu.memory_space<vmem>>
        %dma_start3A_95 = tpu.memref_squeeze %dma_start3A_94 : memref<1x328x128xf32, #tpu.memory_space<vmem>> -> memref<328x128xf32, #tpu.memory_space<vmem>>
        %dma_start3A_96 = arith.constant 0 : i32
        %dma_start3A_97 = tpu.memref_slice %arg2[%multiple_of3A, %dma_start3A_96] : memref<100000x128xf32, #tpu.memory_space<hbm>> -> memref<328x128xf32, #tpu.memory_space<hbm>>
        tpu.enqueue_dma source(%dma_start3A_97 : memref<328x128xf32, #tpu.memory_space<hbm>>) target(%dma_start3A_95 : memref<328x128xf32, #tpu.memory_space<vmem>>) target_semaphore(%dma_start3A_91 : memref<!tpu.dma_semaphore, #tpu.memory_space<semaphore_mem>>)
      } else {
      }
      %gt3A_38 = arith.constant 1 : i32
      %gt3A_39 = arith.cmpi sgt, %select_n3A, %gt3A_38 : i32
      %convert_element_type3A_40 = arith.extui %gt3A_39 : i1 to i32
      %cond3A_41 = arith.constant 0 : i32
      %cond3A_42 = arith.cmpi ne, %convert_element_type3A_40, %cond3A_41 : i32
      scf.if %cond3A_42 {
        %add3A_54 = arith.constant 320 : i32
        %add3A_55 = arith.addi %squeeze3A, %add3A_54 : i32
        %jit3A_56 = arith.constant 8 : i32
        %div3A_57 = arith.divsi %add3A_55, %jit3A_56 : i32
        %sign3A_58 = arith.constant 0 : i32
        %sign3A_59 = arith.cmpi sgt, %add3A_55, %sign3A_58 : i32
        %sign3A_60 = arith.extui %sign3A_59 : i1 to i32
        %sign3A_61 = arith.constant 0 : i32
        %sign3A_62 = arith.cmpi slt, %add3A_55, %sign3A_61 : i32
        %sign3A_63 = arith.extui %sign3A_62 : i1 to i32
        %sign3A_64 = arith.subi %sign3A_60, %sign3A_63 : i32
        %sign3A_65 = arith.constant 0 : i32
        %sign3A_66 = arith.cmpi sgt, %jit3A_56, %sign3A_65 : i32
        %sign3A_67 = arith.extui %sign3A_66 : i1 to i32
        %sign3A_68 = arith.constant 0 : i32
        %sign3A_69 = arith.cmpi slt, %jit3A_56, %sign3A_68 : i32
        %sign3A_70 = arith.extui %sign3A_69 : i1 to i32
        %sign3A_71 = arith.subi %sign3A_67, %sign3A_70 : i32
        %ne3A_72 = arith.cmpi ne, %sign3A_64, %sign3A_71 : i32
        %rem3A_73 = arith.remsi %add3A_55, %jit3A_56 : i32
        %ne3A_74 = arith.constant 0 : i32
        %ne3A_75 = arith.cmpi ne, %rem3A_73, %ne3A_74 : i32
        %and3A_76 = arith.andi %ne3A_72, %ne3A_75 : i1
        %sub3A_77 = arith.constant 1 : i32
        %sub3A_78 = arith.subi %div3A_57, %sub3A_77 : i32
        %select_n3A_79 = arith.select %and3A_76, %sub3A_78, %div3A_57 : i32
        %mul3A_80 = arith.constant 8 : i32
        %mul3A_81 = arith.muli %select_n3A_79, %mul3A_80 : i32
        %min3A = arith.constant 99672 : i32
        %min3A_82 = arith.minsi %mul3A_81, %min3A : i32
        %multiple_of3A = tpu.assume_multiple %min3A_82, 8 : i32
        %dma_start3A = arith.constant 1 : i32
        %dma_start3A_83 = arith.constant 1 : i32
        %dma_start3A_84 = arith.constant 0 : i32
        %dma_start3A_85 = arith.constant 0 : i32
        %dma_start3A_86 = tpu.memref_slice %run_scoped3A[%dma_start3A, %dma_start3A_84, %dma_start3A_85] : memref<3x328x128xf32, #tpu.memory_space<vmem>> -> memref<1x328x128xf32, #tpu.memory_space<vmem>>
        %dma_start3A_87 = tpu.memref_squeeze %dma_start3A_86 : memref<1x328x128xf32, #tpu.memory_space<vmem>> -> memref<328x128xf32, #tpu.memory_space<vmem>>
        %dma_start3A_88 = arith.constant 0 : i32
        %dma_start3A_89 = tpu.memref_slice %arg2[%multiple_of3A, %dma_start3A_88] : memref<100000x128xf32, #tpu.memory_space<hbm>> -> memref<328x128xf32, #tpu.memory_space<hbm>>
        %dma_start3A_90 = tpu.memref_slice %arg10[%dma_start3A_83] : memref<3x!tpu.dma_semaphore, #tpu.memory_space<semaphore_mem>> -> memref<1x!tpu.dma_semaphore, #tpu.memory_space<semaphore_mem>>
        %dma_start3A_91 = tpu.memref_squeeze %dma_start3A_90 : memref<1x!tpu.dma_semaphore, #tpu.memory_space<semaphore_mem>> -> memref<!tpu.dma_semaphore, #tpu.memory_space<semaphore_mem>>
        %dma_start3A_92 = arith.constant 0 : i32
        %dma_start3A_93 = arith.constant 0 : i32
        %dma_start3A_94 = tpu.memref_slice %run_scoped3A[%dma_start3A, %dma_start3A_92, %dma_start3A_93] : memref<3x328x128xf32, #tpu.memory_space<vmem>> -> memref<1x328x128xf32, #tpu.memory_space<vmem>>
        %dma_start3A_95 = tpu.memref_squeeze %dma_start3A_94 : memref<1x328x128xf32, #tpu.memory_space<vmem>> -> memref<328x128xf32, #tpu.memory_space<vmem>>
        %dma_start3A_96 = arith.constant 0 : i32
        %dma_start3A_97 = tpu.memref_slice %arg2[%multiple_of3A, %dma_start3A_96] : memref<100000x128xf32, #tpu.memory_space<hbm>> -> memref<328x128xf32, #tpu.memory_space<hbm>>
        tpu.enqueue_dma source(%dma_start3A_97 : memref<328x128xf32, #tpu.memory_space<hbm>>) target(%dma_start3A_95 : memref<328x128xf32, #tpu.memory_space<vmem>>) target_semaphore(%dma_start3A_91 : memref<!tpu.dma_semaphore, #tpu.memory_space<semaphore_mem>>)
      } else {
      }
      %while3A = arith.constant 0 : i32
      %while3A_43 = arith.constant 0 : i32
      %while3A_44 = arith.subi %select_n3A, %while3A : i32
      %while3A_45 = arith.addi %while3A, %while3A_44 : i32
      %while3A_46 = arith.constant 1 : i32
      %while3A_47 = arith.divsi %while3A_44, %while3A_46 : i32
      %while3A_48 = arith.muli %while3A_47, %while3A_46 : i32
      %while3A_49 = arith.addi %while3A, %while3A_48 : i32
      %while3A_50 = arith.constant 1 : i32
      %while3A_51:9 = scf.for %while3A_54 = %while3A to %while3A_49 step %while3A_50 iter_args(%while3A_55 = %while3A_43, %while3A_56 = %broadcast_in_dim3A_3, %while3A_57 = %broadcast_in_dim3A_3, %while3A_58 = %broadcast_in_dim3A_3, %while3A_59 = %broadcast_in_dim3A_3, %while3A_60 = %broadcast_in_dim3A_3, %while3A_61 = %broadcast_in_dim3A_3, %while3A_62 = %broadcast_in_dim3A_3, %while3A_63 = %broadcast_in_dim3A_3) -> (i32, vector<16xf32>, vector<16xf32>, vector<16xf32>, vector<16xf32>, vector<16xf32>, vector<16xf32>, vector<16xf32>, vector<16xf32>)  : i32 {
        %jit3A_64 = arith.constant 3 : i32
        %eq3A = arith.constant 0 : i32
        %eq3A_65 = arith.cmpi eq, %jit3A_64, %eq3A : i32
        %jit3A_66 = arith.constant 1 : i32
        %select_n3A_67 = arith.select %eq3A_65, %jit3A_66, %jit3A_64 : i32
        %rem3A_68 = arith.remsi %while3A_54, %select_n3A_67 : i32
        %ne3A_69 = arith.constant 0 : i32
        %ne3A_70 = arith.cmpi ne, %rem3A_68, %ne3A_69 : i32
        %lt3A = arith.constant 0 : i32
        %lt3A_71 = arith.cmpi slt, %rem3A_68, %lt3A : i32
        %lt3A_72 = arith.constant 0 : i32
        %lt3A_73 = arith.cmpi slt, %select_n3A_67, %lt3A_72 : i32
        %ne3A_74 = arith.xori %lt3A_71, %lt3A_73 : i1
        %and3A_75 = arith.andi %ne3A_74, %ne3A_70 : i1
        %add3A_76 = arith.addi %rem3A_68, %select_n3A_67 : i32
        %select_n3A_77 = arith.select %and3A_75, %add3A_76, %rem3A_68 : i32
        %mul3A_78 = arith.constant 320 : i32
        %mul3A_79 = arith.muli %while3A_54, %mul3A_78 : i32
        %add3A_80 = arith.addi %squeeze3A, %mul3A_79 : i32
        %jit3A_81 = arith.constant 8 : i32
        %div3A_82 = arith.divsi %add3A_80, %jit3A_81 : i32
        %sign3A_83 = arith.constant 0 : i32
        %sign3A_84 = arith.cmpi sgt, %add3A_80, %sign3A_83 : i32
        %sign3A_85 = arith.extui %sign3A_84 : i1 to i32
        %sign3A_86 = arith.constant 0 : i32
        %sign3A_87 = arith.cmpi slt, %add3A_80, %sign3A_86 : i32
        %sign3A_88 = arith.extui %sign3A_87 : i1 to i32
        %sign3A_89 = arith.subi %sign3A_85, %sign3A_88 : i32
        %sign3A_90 = arith.constant 0 : i32
        %sign3A_91 = arith.cmpi sgt, %jit3A_81, %sign3A_90 : i32
        %sign3A_92 = arith.extui %sign3A_91 : i1 to i32
        %sign3A_93 = arith.constant 0 : i32
        %sign3A_94 = arith.cmpi slt, %jit3A_81, %sign3A_93 : i32
        %sign3A_95 = arith.extui %sign3A_94 : i1 to i32
        %sign3A_96 = arith.subi %sign3A_92, %sign3A_95 : i32
        %ne3A_97 = arith.cmpi ne, %sign3A_89, %sign3A_96 : i32
        %rem3A_98 = arith.remsi %add3A_80, %jit3A_81 : i32
        %ne3A_99 = arith.constant 0 : i32
        %ne3A_100 = arith.cmpi ne, %rem3A_98, %ne3A_99 : i32
        %and3A_101 = arith.andi %ne3A_97, %ne3A_100 : i1
        %sub3A_102 = arith.constant 1 : i32
        %sub3A_103 = arith.subi %div3A_82, %sub3A_102 : i32
        %select_n3A_104 = arith.select %and3A_101, %sub3A_103, %div3A_82 : i32
        %mul3A_105 = arith.constant 8 : i32
        %mul3A_106 = arith.muli %select_n3A_104, %mul3A_105 : i32
        %min3A = arith.constant 99672 : i32
        %min3A_107 = arith.minsi %mul3A_106, %min3A : i32
        %multiple_of3A = tpu.assume_multiple %min3A_107, 8 : i32
        %add3A_108 = arith.constant 320 : i32
        %add3A_109 = arith.addi %add3A_80, %add3A_108 : i32
        %min3A_110 = arith.minsi %add3A_109, %squeeze3A_14 : i32
        %mul3A_111 = arith.constant 320 : i32
        %mul3A_112 = arith.muli %while3A_54, %mul3A_111 : i32
        %add3A_113 = arith.addi %squeeze3A, %mul3A_112 : i32
        %jit3A_114 = arith.constant 8 : i32
        %div3A_115 = arith.divsi %add3A_113, %jit3A_114 : i32
        %sign3A_116 = arith.constant 0 : i32
        %sign3A_117 = arith.cmpi sgt, %add3A_113, %sign3A_116 : i32
        %sign3A_118 = arith.extui %sign3A_117 : i1 to i32
        %sign3A_119 = arith.constant 0 : i32
        %sign3A_120 = arith.cmpi slt, %add3A_113, %sign3A_119 : i32
        %sign3A_121 = arith.extui %sign3A_120 : i1 to i32
        %sign3A_122 = arith.subi %sign3A_118, %sign3A_121 : i32
        %sign3A_123 = arith.constant 0 : i32
        %sign3A_124 = arith.cmpi sgt, %jit3A_114, %sign3A_123 : i32
        %sign3A_125 = arith.extui %sign3A_124 : i1 to i32
        %sign3A_126 = arith.constant 0 : i32
        %sign3A_127 = arith.cmpi slt, %jit3A_114, %sign3A_126 : i32
        %sign3A_128 = arith.extui %sign3A_127 : i1 to i32
        %sign3A_129 = arith.subi %sign3A_125, %sign3A_128 : i32
        %ne3A_130 = arith.cmpi ne, %sign3A_122, %sign3A_129 : i32
        %rem3A_131 = arith.remsi %add3A_113, %jit3A_114 : i32
        %ne3A_132 = arith.constant 0 : i32
        %ne3A_133 = arith.cmpi ne, %rem3A_131, %ne3A_132 : i32
        %and3A_134 = arith.andi %ne3A_130, %ne3A_133 : i1
        %sub3A_135 = arith.constant 1 : i32
        %sub3A_136 = arith.subi %div3A_115, %sub3A_135 : i32
        %select_n3A_137 = arith.select %and3A_134, %sub3A_136, %div3A_115 : i32
        %mul3A_138 = arith.constant 8 : i32
        %mul3A_139 = arith.muli %select_n3A_137, %mul3A_138 : i32
        %min3A_140 = arith.constant 99672 : i32
        %min3A_141 = arith.minsi %mul3A_139, %min3A_140 : i32
        %multiple_of3A_142 = tpu.assume_multiple %min3A_141, 8 : i32
        %jit3A_143 = arith.constant 3 : i32
        %eq3A_144 = arith.constant 0 : i32
        %eq3A_145 = arith.cmpi eq, %jit3A_143, %eq3A_144 : i32
        %jit3A_146 = arith.constant 1 : i32
        %select_n3A_147 = arith.select %eq3A_145, %jit3A_146, %jit3A_143 : i32
        %rem3A_148 = arith.remsi %while3A_54, %select_n3A_147 : i32
        %ne3A_149 = arith.constant 0 : i32
        %ne3A_150 = arith.cmpi ne, %rem3A_148, %ne3A_149 : i32
        %lt3A_151 = arith.constant 0 : i32
        %lt3A_152 = arith.cmpi slt, %rem3A_148, %lt3A_151 : i32
        %lt3A_153 = arith.constant 0 : i32
        %lt3A_154 = arith.cmpi slt, %select_n3A_147, %lt3A_153 : i32
        %ne3A_155 = arith.xori %lt3A_152, %lt3A_154 : i1
        %and3A_156 = arith.andi %ne3A_155, %ne3A_150 : i1
        %add3A_157 = arith.addi %rem3A_148, %select_n3A_147 : i32
        %select_n3A_158 = arith.select %and3A_156, %add3A_157, %rem3A_148 : i32
        %dma_wait3A = arith.constant 0 : i32
        %dma_wait3A_159 = arith.constant 0 : i32
        %dma_wait3A_160 = tpu.memref_slice %run_scoped3A[%select_n3A_158, %dma_wait3A, %dma_wait3A_159] : memref<3x328x128xf32, #tpu.memory_space<vmem>> -> memref<1x328x128xf32, #tpu.memory_space<vmem>>
        %dma_wait3A_161 = tpu.memref_squeeze %dma_wait3A_160 : memref<1x328x128xf32, #tpu.memory_space<vmem>> -> memref<328x128xf32, #tpu.memory_space<vmem>>
        %dma_wait3A_162 = arith.constant 0 : i32
        %dma_wait3A_163 = tpu.memref_slice %arg2[%multiple_of3A_142, %dma_wait3A_162] : memref<100000x128xf32, #tpu.memory_space<hbm>> -> memref<328x128xf32, #tpu.memory_space<hbm>>
        %dma_wait3A_164 = tpu.memref_slice %arg10[%select_n3A_158] : memref<3x!tpu.dma_semaphore, #tpu.memory_space<semaphore_mem>> -> memref<1x!tpu.dma_semaphore, #tpu.memory_space<semaphore_mem>>
        %dma_wait3A_165 = tpu.memref_squeeze %dma_wait3A_164 : memref<1x!tpu.dma_semaphore, #tpu.memory_space<semaphore_mem>> -> memref<!tpu.dma_semaphore, #tpu.memory_space<semaphore_mem>>
        %dma_wait3A_166 = arith.constant 0 : i32
        %dma_wait3A_167 = arith.constant 0 : i32
        %dma_wait3A_168 = tpu.memref_slice %run_scoped3A[%select_n3A_158, %dma_wait3A_166, %dma_wait3A_167] : memref<3x328x128xf32, #tpu.memory_space<vmem>> -> memref<1x328x128xf32, #tpu.memory_space<vmem>>
        %dma_wait3A_169 = tpu.memref_squeeze %dma_wait3A_168 : memref<1x328x128xf32, #tpu.memory_space<vmem>> -> memref<328x128xf32, #tpu.memory_space<vmem>>
        %dma_wait3A_170 = arith.constant 0 : i32
        %dma_wait3A_171 = tpu.memref_slice %arg2[%multiple_of3A_142, %dma_wait3A_170] : memref<100000x128xf32, #tpu.memory_space<hbm>> -> memref<328x128xf32, #tpu.memory_space<hbm>>
        tpu.wait_dma2 semaphore(%dma_wait3A_165 : memref<!tpu.dma_semaphore, #tpu.memory_space<semaphore_mem>>) src(%dma_wait3A_171 : memref<328x128xf32, #tpu.memory_space<hbm>>) dst(%dma_wait3A_169 : memref<328x128xf32, #tpu.memory_space<vmem>>)
        %add3A_172 = arith.constant 3 : i32
        %add3A_173 = arith.addi %while3A_54, %add3A_172 : i32
        %sub3A_174 = arith.constant 1 : i32
        %sub3A_175 = arith.subi %add3A_173, %sub3A_174 : i32
        %lt3A_176 = arith.cmpi slt, %sub3A_175, %select_n3A : i32
        %convert_element_type3A_177 = arith.extui %lt3A_176 : i1 to i32
        %cond3A_178 = arith.constant 0 : i32
        %cond3A_179 = arith.cmpi ne, %convert_element_type3A_177, %cond3A_178 : i32
        scf.if %cond3A_179 {
          %add3A_204 = arith.constant 3 : i32
          %add3A_205 = arith.addi %while3A_54, %add3A_204 : i32
          %sub3A_206 = arith.constant 1 : i32
          %sub3A_207 = arith.subi %add3A_205, %sub3A_206 : i32
          %mul3A_208 = arith.constant 320 : i32
          %mul3A_209 = arith.muli %sub3A_207, %mul3A_208 : i32
          %add3A_210 = arith.addi %squeeze3A, %mul3A_209 : i32
          %jit3A_211 = arith.constant 8 : i32
          %div3A_212 = arith.divsi %add3A_210, %jit3A_211 : i32
          %sign3A_213 = arith.constant 0 : i32
          %sign3A_214 = arith.cmpi sgt, %add3A_210, %sign3A_213 : i32
          %sign3A_215 = arith.extui %sign3A_214 : i1 to i32
          %sign3A_216 = arith.constant 0 : i32
          %sign3A_217 = arith.cmpi slt, %add3A_210, %sign3A_216 : i32
          %sign3A_218 = arith.extui %sign3A_217 : i1 to i32
          %sign3A_219 = arith.subi %sign3A_215, %sign3A_218 : i32
          %sign3A_220 = arith.constant 0 : i32
          %sign3A_221 = arith.cmpi sgt, %jit3A_211, %sign3A_220 : i32
          %sign3A_222 = arith.extui %sign3A_221 : i1 to i32
          %sign3A_223 = arith.constant 0 : i32
          %sign3A_224 = arith.cmpi slt, %jit3A_211, %sign3A_223 : i32
          %sign3A_225 = arith.extui %sign3A_224 : i1 to i32
          %sign3A_226 = arith.subi %sign3A_222, %sign3A_225 : i32
          %ne3A_227 = arith.cmpi ne, %sign3A_219, %sign3A_226 : i32
          %rem3A_228 = arith.remsi %add3A_210, %jit3A_211 : i32
          %ne3A_229 = arith.constant 0 : i32
          %ne3A_230 = arith.cmpi ne, %rem3A_228, %ne3A_229 : i32
          %and3A_231 = arith.andi %ne3A_227, %ne3A_230 : i1
          %sub3A_232 = arith.constant 1 : i32
          %sub3A_233 = arith.subi %div3A_212, %sub3A_232 : i32
          %select_n3A_234 = arith.select %and3A_231, %sub3A_233, %div3A_212 : i32
          %mul3A_235 = arith.constant 8 : i32
          %mul3A_236 = arith.muli %select_n3A_234, %mul3A_235 : i32
          %min3A_237 = arith.constant 99672 : i32
          %min3A_238 = arith.minsi %mul3A_236, %min3A_237 : i32
          %multiple_of3A_239 = tpu.assume_multiple %min3A_238, 8 : i32
          %jit3A_240 = arith.constant 3 : i32
          %eq3A_241 = arith.constant 0 : i32
          %eq3A_242 = arith.cmpi eq, %jit3A_240, %eq3A_241 : i32
          %jit3A_243 = arith.constant 1 : i32
          %select_n3A_244 = arith.select %eq3A_242, %jit3A_243, %jit3A_240 : i32
          %rem3A_245 = arith.remsi %sub3A_207, %select_n3A_244 : i32
          %ne3A_246 = arith.constant 0 : i32
          %ne3A_247 = arith.cmpi ne, %rem3A_245, %ne3A_246 : i32
          %lt3A_248 = arith.constant 0 : i32
          %lt3A_249 = arith.cmpi slt, %rem3A_245, %lt3A_248 : i32
          %lt3A_250 = arith.constant 0 : i32
          %lt3A_251 = arith.cmpi slt, %select_n3A_244, %lt3A_250 : i32
          %ne3A_252 = arith.xori %lt3A_249, %lt3A_251 : i1
          %and3A_253 = arith.andi %ne3A_252, %ne3A_247 : i1
          %add3A_254 = arith.addi %rem3A_245, %select_n3A_244 : i32
          %select_n3A_255 = arith.select %and3A_253, %add3A_254, %rem3A_245 : i32
          %dma_start3A = arith.constant 0 : i32
          %dma_start3A_256 = arith.constant 0 : i32
          %dma_start3A_257 = tpu.memref_slice %run_scoped3A[%select_n3A_255, %dma_start3A, %dma_start3A_256] : memref<3x328x128xf32, #tpu.memory_space<vmem>> -> memref<1x328x128xf32, #tpu.memory_space<vmem>>
          %dma_start3A_258 = tpu.memref_squeeze %dma_start3A_257 : memref<1x328x128xf32, #tpu.memory_space<vmem>> -> memref<328x128xf32, #tpu.memory_space<vmem>>
          %dma_start3A_259 = arith.constant 0 : i32
          %dma_start3A_260 = tpu.memref_slice %arg2[%multiple_of3A_239, %dma_start3A_259] : memref<100000x128xf32, #tpu.memory_space<hbm>> -> memref<328x128xf32, #tpu.memory_space<hbm>>
          %dma_start3A_261 = tpu.memref_slice %arg10[%select_n3A_255] : memref<3x!tpu.dma_semaphore, #tpu.memory_space<semaphore_mem>> -> memref<1x!tpu.dma_semaphore, #tpu.memory_space<semaphore_mem>>
          %dma_start3A_262 = tpu.memref_squeeze %dma_start3A_261 : memref<1x!tpu.dma_semaphore, #tpu.memory_space<semaphore_mem>> -> memref<!tpu.dma_semaphore, #tpu.memory_space<semaphore_mem>>
          %dma_start3A_263 = arith.constant 0 : i32
          %dma_start3A_264 = arith.constant 0 : i32
          %dma_start3A_265 = tpu.memref_slice %run_scoped3A[%select_n3A_255, %dma_start3A_263, %dma_start3A_264] : memref<3x328x128xf32, #tpu.memory_space<vmem>> -> memref<1x328x128xf32, #tpu.memory_space<vmem>>
          %dma_start3A_266 = tpu.memref_squeeze %dma_start3A_265 : memref<1x328x128xf32, #tpu.memory_space<vmem>> -> memref<328x128xf32, #tpu.memory_space<vmem>>
          %dma_start3A_267 = arith.constant 0 : i32
          %dma_start3A_268 = tpu.memref_slice %arg2[%multiple_of3A_239, %dma_start3A_267] : memref<100000x128xf32, #tpu.memory_space<hbm>> -> memref<328x128xf32, #tpu.memory_space<hbm>>
          tpu.enqueue_dma source(%dma_start3A_268 : memref<328x128xf32, #tpu.memory_space<hbm>>) target(%dma_start3A_266 : memref<328x128xf32, #tpu.memory_space<vmem>>) target_semaphore(%dma_start3A_262 : memref<!tpu.dma_semaphore, #tpu.memory_space<semaphore_mem>>)
        } else {
        }
        %lt3A_180 = vector.broadcast %min3A_110 : i32 to vector<16xi32>
        %lt3A_181 = arith.cmpi slt, %get3A_10, %lt3A_180 : vector<16xi32>
        %all_reduce_population_count3A = tpu.all_reduce %lt3A_181 {dim = 0 : i64, kind = #tpu.reduction_kind<sum>} : vector<16xi1> -> vector<16xi32>
        %slice3A_182 = vector.extract_strided_slice %all_reduce_population_count3A {offsets = [0], sizes = [1], strides = [1]} : vector<16xi32> to vector<1xi32>
        %squeeze3A_183 = vector.extract %slice3A_182[0] : i32 from vector<1xi32>
        %sub3A_184 = arith.constant 1 : i32
        %sub3A_185 = arith.subi %squeeze3A_183, %sub3A_184 : i32
        %add3A_186 = arith.constant 1 : i32
        %add3A_187 = arith.addi %sub3A_185, %add3A_186 : i32
        %while3A_188 = arith.subi %add3A_187, %while3A_55 : i32
        %while3A_189 = arith.addi %while3A_55, %while3A_188 : i32
        %while3A_190 = arith.constant 1 : i32
        %while3A_191 = arith.divsi %while3A_188, %while3A_190 : i32
        %while3A_192 = arith.muli %while3A_191, %while3A_190 : i32
        %while3A_193 = arith.addi %while3A_55, %while3A_192 : i32
        %while3A_194 = arith.constant 1 : i32
        %while3A_195:8 = scf.for %while3A_204 = %while3A_55 to %while3A_193 step %while3A_194 iter_args(%while3A_205 = %while3A_56, %while3A_206 = %while3A_57, %while3A_207 = %while3A_58, %while3A_208 = %while3A_59, %while3A_209 = %while3A_60, %while3A_210 = %while3A_61, %while3A_211 = %while3A_62, %while3A_212 = %while3A_63) -> (vector<16xf32>, vector<16xf32>, vector<16xf32>, vector<16xf32>, vector<16xf32>, vector<16xf32>, vector<16xf32>, vector<16xf32>)  : i32 {
          %get3A_213 = arith.index_cast %while3A_204 : i32 to index
          %get3A_214 = tpu.vector_load %arg5[%get3A_213] {strides = array<i32>} : memref<32xi32, #tpu.memory_space<vmem>>, vector<16xi32>,
          %slice3A_215 = vector.extract_strided_slice %get3A_214 {offsets = [0], sizes = [1], strides = [1]} : vector<16xi32> to vector<1xi32>
          %squeeze3A_216 = vector.extract %slice3A_215[0] : i32 from vector<1xi32>
          %max3A = arith.maxsi %squeeze3A_216, %add3A_80 : i32
          %sub3A_217 = arith.subi %max3A, %multiple_of3A : i32
          %slice3A_218 = vector.extract_strided_slice %get3A_214 {offsets = [1], sizes = [1], strides = [1]} : vector<16xi32> to vector<1xi32>
          %squeeze3A_219 = vector.extract %slice3A_218[0] : i32 from vector<1xi32>
          %min3A_220 = arith.minsi %squeeze3A_219, %min3A_110 : i32
          %sub3A_221 = arith.subi %min3A_220, %multiple_of3A : i32
          %while3A_222 = arith.subi %sub3A_221, %sub3A_217 : i32
          %while3A_223 = arith.addi %sub3A_217, %while3A_222 : i32
          %while3A_224 = arith.constant 1 : i32
          %while3A_225 = arith.divsi %while3A_222, %while3A_224 : i32
          %while3A_226 = arith.muli %while3A_225, %while3A_224 : i32
          %while3A_227 = arith.addi %sub3A_217, %while3A_226 : i32
          %while3A_228 = arith.constant 1 : i32
          %while3A_229:8 = scf.for %while3A_266 = %sub3A_217 to %while3A_227 step %while3A_228 iter_args(%while3A_267 = %while3A_205, %while3A_268 = %while3A_206, %while3A_269 = %while3A_207, %while3A_270 = %while3A_208, %while3A_271 = %while3A_209, %while3A_272 = %while3A_210, %while3A_273 = %while3A_211, %while3A_274 = %while3A_212) -> (vector<16xf32>, vector<16xf32>, vector<16xf32>, vector<16xf32>, vector<16xf32>, vector<16xf32>, vector<16xf32>, vector<16xf32>)  : i32 {
            %get3A_275 = arith.index_cast %select_n3A_77 : i32 to index
            %get3A_276 = arith.index_cast %while3A_266 : i32 to index
            %get3A_277 = arith.constant 0 : index
            %get3A_278 = tpu.vector_load %run_scoped3A[%get3A_275, %get3A_276, %get3A_277] {strides = array<i32>} : memref<3x328x128xf32, #tpu.memory_space<vmem>>, vector<16xf32>,
            %max3A_279 = arith.maximumf %while3A_267, %get3A_278 : vector<16xf32>
            %get3A_280 = arith.index_cast %select_n3A_77 : i32 to index
            %get3A_281 = arith.index_cast %while3A_266 : i32 to index
            %get3A_282 = arith.constant 16 : index
            %get3A_283 = tpu.vector_load %run_scoped3A[%get3A_280, %get3A_281, %get3A_282] {strides = array<i32>} : memref<3x328x128xf32, #tpu.memory_space<vmem>>, vector<16xf32>,
            %max3A_284 = arith.maximumf %while3A_268, %get3A_283 : vector<16xf32>
            %get3A_285 = arith.index_cast %select_n3A_77 : i32 to index
            %get3A_286 = arith.index_cast %while3A_266 : i32 to index
            %get3A_287 = arith.constant 32 : index
            %get3A_288 = tpu.vector_load %run_scoped3A[%get3A_285, %get3A_286, %get3A_287] {strides = array<i32>} : memref<3x328x128xf32, #tpu.memory_space<vmem>>, vector<16xf32>,
            %max3A_289 = arith.maximumf %while3A_269, %get3A_288 : vector<16xf32>
            %get3A_290 = arith.index_cast %select_n3A_77 : i32 to index
            %get3A_291 = arith.index_cast %while3A_266 : i32 to index
            %get3A_292 = arith.constant 48 : index
            %get3A_293 = tpu.vector_load %run_scoped3A[%get3A_290, %get3A_291, %get3A_292] {strides = array<i32>} : memref<3x328x128xf32, #tpu.memory_space<vmem>>, vector<16xf32>,
            %max3A_294 = arith.maximumf %while3A_270, %get3A_293 : vector<16xf32>
            %get3A_295 = arith.index_cast %select_n3A_77 : i32 to index
            %get3A_296 = arith.index_cast %while3A_266 : i32 to index
            %get3A_297 = arith.constant 64 : index
            %get3A_298 = tpu.vector_load %run_scoped3A[%get3A_295, %get3A_296, %get3A_297] {strides = array<i32>} : memref<3x328x128xf32, #tpu.memory_space<vmem>>, vector<16xf32>,
            %max3A_299 = arith.maximumf %while3A_271, %get3A_298 : vector<16xf32>
            %get3A_300 = arith.index_cast %select_n3A_77 : i32 to index
            %get3A_301 = arith.index_cast %while3A_266 : i32 to index
            %get3A_302 = arith.constant 80 : index
            %get3A_303 = tpu.vector_load %run_scoped3A[%get3A_300, %get3A_301, %get3A_302] {strides = array<i32>} : memref<3x328x128xf32, #tpu.memory_space<vmem>>, vector<16xf32>,
            %max3A_304 = arith.maximumf %while3A_272, %get3A_303 : vector<16xf32>
            %get3A_305 = arith.index_cast %select_n3A_77 : i32 to index
            %get3A_306 = arith.index_cast %while3A_266 : i32 to index
            %get3A_307 = arith.constant 96 : index
            %get3A_308 = tpu.vector_load %run_scoped3A[%get3A_305, %get3A_306, %get3A_307] {strides = array<i32>} : memref<3x328x128xf32, #tpu.memory_space<vmem>>, vector<16xf32>,
            %max3A_309 = arith.maximumf %while3A_273, %get3A_308 : vector<16xf32>
            %get3A_310 = arith.index_cast %select_n3A_77 : i32 to index
            %get3A_311 = arith.index_cast %while3A_266 : i32 to index
            %get3A_312 = arith.constant 112 : index
            %get3A_313 = tpu.vector_load %run_scoped3A[%get3A_310, %get3A_311, %get3A_312] {strides = array<i32>} : memref<3x328x128xf32, #tpu.memory_space<vmem>>, vector<16xf32>,
            %max3A_314 = arith.maximumf %while3A_274, %get3A_313 : vector<16xf32>
            scf.yield %max3A_279, %max3A_284, %max3A_289, %max3A_294, %max3A_299, %max3A_304, %max3A_309, %max3A_314 : vector<16xf32>, vector<16xf32>, vector<16xf32>, vector<16xf32>, vector<16xf32>, vector<16xf32>, vector<16xf32>, vector<16xf32>
          }
          %while3A_230 = arith.constant 1 : i32
          %while3A_231:8 = scf.for %while3A_266 = %while3A_227 to %while3A_223 step %while3A_230 iter_args(%while3A_267 = %while3A_229#0, %while3A_268 = %while3A_229#1, %while3A_269 = %while3A_229#2, %while3A_270 = %while3A_229#3, %while3A_271 = %while3A_229#4, %while3A_272 = %while3A_229#5, %while3A_273 = %while3A_229#6, %while3A_274 = %while3A_229#7) -> (vector<16xf32>, vector<16xf32>, vector<16xf32>, vector<16xf32>, vector<16xf32>, vector<16xf32>, vector<16xf32>, vector<16xf32>)  : i32 {
            %get3A_275 = arith.index_cast %select_n3A_77 : i32 to index
            %get3A_276 = arith.index_cast %while3A_266 : i32 to index
            %get3A_277 = arith.constant 0 : index
            %get3A_278 = tpu.vector_load %run_scoped3A[%get3A_275, %get3A_276, %get3A_277] {strides = array<i32>} : memref<3x328x128xf32, #tpu.memory_space<vmem>>, vector<16xf32>,
            %max3A_279 = arith.maximumf %while3A_267, %get3A_278 : vector<16xf32>
            %get3A_280 = arith.index_cast %select_n3A_77 : i32 to index
            %get3A_281 = arith.index_cast %while3A_266 : i32 to index
            %get3A_282 = arith.constant 16 : index
            %get3A_283 = tpu.vector_load %run_scoped3A[%get3A_280, %get3A_281, %get3A_282] {strides = array<i32>} : memref<3x328x128xf32, #tpu.memory_space<vmem>>, vector<16xf32>,
            %max3A_284 = arith.maximumf %while3A_268, %get3A_283 : vector<16xf32>
            %get3A_285 = arith.index_cast %select_n3A_77 : i32 to index
            %get3A_286 = arith.index_cast %while3A_266 : i32 to index
            %get3A_287 = arith.constant 32 : index
            %get3A_288 = tpu.vector_load %run_scoped3A[%get3A_285, %get3A_286, %get3A_287] {strides = array<i32>} : memref<3x328x128xf32, #tpu.memory_space<vmem>>, vector<16xf32>,
            %max3A_289 = arith.maximumf %while3A_269, %get3A_288 : vector<16xf32>
            %get3A_290 = arith.index_cast %select_n3A_77 : i32 to index
            %get3A_291 = arith.index_cast %while3A_266 : i32 to index
            %get3A_292 = arith.constant 48 : index
            %get3A_293 = tpu.vector_load %run_scoped3A[%get3A_290, %get3A_291, %get3A_292] {strides = array<i32>} : memref<3x328x128xf32, #tpu.memory_space<vmem>>, vector<16xf32>,
            %max3A_294 = arith.maximumf %while3A_270, %get3A_293 : vector<16xf32>
            %get3A_295 = arith.index_cast %select_n3A_77 : i32 to index
            %get3A_296 = arith.index_cast %while3A_266 : i32 to index
            %get3A_297 = arith.constant 64 : index
            %get3A_298 = tpu.vector_load %run_scoped3A[%get3A_295, %get3A_296, %get3A_297] {strides = array<i32>} : memref<3x328x128xf32, #tpu.memory_space<vmem>>, vector<16xf32>,
            %max3A_299 = arith.maximumf %while3A_271, %get3A_298 : vector<16xf32>
            %get3A_300 = arith.index_cast %select_n3A_77 : i32 to index
            %get3A_301 = arith.index_cast %while3A_266 : i32 to index
            %get3A_302 = arith.constant 80 : index
            %get3A_303 = tpu.vector_load %run_scoped3A[%get3A_300, %get3A_301, %get3A_302] {strides = array<i32>} : memref<3x328x128xf32, #tpu.memory_space<vmem>>, vector<16xf32>,
            %max3A_304 = arith.maximumf %while3A_272, %get3A_303 : vector<16xf32>
            %get3A_305 = arith.index_cast %select_n3A_77 : i32 to index
            %get3A_306 = arith.index_cast %while3A_266 : i32 to index
            %get3A_307 = arith.constant 96 : index
            %get3A_308 = tpu.vector_load %run_scoped3A[%get3A_305, %get3A_306, %get3A_307] {strides = array<i32>} : memref<3x328x128xf32, #tpu.memory_space<vmem>>, vector<16xf32>,
            %max3A_309 = arith.maximumf %while3A_273, %get3A_308 : vector<16xf32>
            %get3A_310 = arith.index_cast %select_n3A_77 : i32 to index
            %get3A_311 = arith.index_cast %while3A_266 : i32 to index
            %get3A_312 = arith.constant 112 : index
            %get3A_313 = tpu.vector_load %run_scoped3A[%get3A_310, %get3A_311, %get3A_312] {strides = array<i32>} : memref<3x328x128xf32, #tpu.memory_space<vmem>>, vector<16xf32>,
            %max3A_314 = arith.maximumf %while3A_274, %get3A_313 : vector<16xf32>
            scf.yield %max3A_279, %max3A_284, %max3A_289, %max3A_294, %max3A_299, %max3A_304, %max3A_309, %max3A_314 : vector<16xf32>, vector<16xf32>, vector<16xf32>, vector<16xf32>, vector<16xf32>, vector<16xf32>, vector<16xf32>, vector<16xf32>
          }
          %swap3A = arith.index_cast %while3A_204 : i32 to index
          %swap3A_232 = arith.constant 0 : index
          %swap3A_233 = tpu.vector_load %arg6[%swap3A, %swap3A_232] {strides = array<i32>} : memref<16x128xf32, #tpu.memory_space<vmem>>, vector<16xf32>,
          tpu.vector_store %arg6[%swap3A, %swap3A_232], %while3A_231#0 {strides = array<i32>} : memref<16x128xf32, #tpu.memory_space<vmem>>, vector<16xf32>,
          %swap3A_234 = arith.index_cast %while3A_204 : i32 to index
          %swap3A_235 = arith.constant 16 : index
          %swap3A_236 = tpu.vector_load %arg6[%swap3A_234, %swap3A_235] {strides = array<i32>} : memref<16x128xf32, #tpu.memory_space<vmem>>, vector<16xf32>,
          tpu.vector_store %arg6[%swap3A_234, %swap3A_235], %while3A_231#1 {strides = array<i32>} : memref<16x128xf32, #tpu.memory_space<vmem>>, vector<16xf32>,
          %swap3A_237 = arith.index_cast %while3A_204 : i32 to index
          %swap3A_238 = arith.constant 32 : index
          %swap3A_239 = tpu.vector_load %arg6[%swap3A_237, %swap3A_238] {strides = array<i32>} : memref<16x128xf32, #tpu.memory_space<vmem>>, vector<16xf32>,
          tpu.vector_store %arg6[%swap3A_237, %swap3A_238], %while3A_231#2 {strides = array<i32>} : memref<16x128xf32, #tpu.memory_space<vmem>>, vector<16xf32>,
          %swap3A_240 = arith.index_cast %while3A_204 : i32 to index
          %swap3A_241 = arith.constant 48 : index
          %swap3A_242 = tpu.vector_load %arg6[%swap3A_240, %swap3A_241] {strides = array<i32>} : memref<16x128xf32, #tpu.memory_space<vmem>>, vector<16xf32>,
          tpu.vector_store %arg6[%swap3A_240, %swap3A_241], %while3A_231#3 {strides = array<i32>} : memref<16x128xf32, #tpu.memory_space<vmem>>, vector<16xf32>,
          %swap3A_243 = arith.index_cast %while3A_204 : i32 to index
          %swap3A_244 = arith.constant 64 : index
          %swap3A_245 = tpu.vector_load %arg6[%swap3A_243, %swap3A_244] {strides = array<i32>} : memref<16x128xf32, #tpu.memory_space<vmem>>, vector<16xf32>,
          tpu.vector_store %arg6[%swap3A_243, %swap3A_244], %while3A_231#4 {strides = array<i32>} : memref<16x128xf32, #tpu.memory_space<vmem>>, vector<16xf32>,
          %swap3A_246 = arith.index_cast %while3A_204 : i32 to index
          %swap3A_247 = arith.constant 80 : index
          %swap3A_248 = tpu.vector_load %arg6[%swap3A_246, %swap3A_247] {strides = array<i32>} : memref<16x128xf32, #tpu.memory_space<vmem>>, vector<16xf32>,
          tpu.vector_store %arg6[%swap3A_246, %swap3A_247], %while3A_231#5 {strides = array<i32>} : memref<16x128xf32, #tpu.memory_space<vmem>>, vector<16xf32>,
          %swap3A_249 = arith.index_cast %while3A_204 : i32 to index
          %swap3A_250 = arith.constant 96 : index
          %swap3A_251 = tpu.vector_load %arg6[%swap3A_249, %swap3A_250] {strides = array<i32>} : memref<16x128xf32, #tpu.memory_space<vmem>>, vector<16xf32>,
          tpu.vector_store %arg6[%swap3A_249, %swap3A_250], %while3A_231#6 {strides = array<i32>} : memref<16x128xf32, #tpu.memory_space<vmem>>, vector<16xf32>,
          %swap3A_252 = arith.index_cast %while3A_204 : i32 to index
          %swap3A_253 = arith.constant 112 : index
          %swap3A_254 = tpu.vector_load %arg6[%swap3A_252, %swap3A_253] {strides = array<i32>} : memref<16x128xf32, #tpu.memory_space<vmem>>, vector<16xf32>,
          tpu.vector_store %arg6[%swap3A_252, %swap3A_253], %while3A_231#7 {strides = array<i32>} : memref<16x128xf32, #tpu.memory_space<vmem>>, vector<16xf32>,
          %slice3A_255 = vector.extract_strided_slice %get3A_214 {offsets = [1], sizes = [1], strides = [1]} : vector<16xi32> to vector<1xi32>
          %squeeze3A_256 = vector.extract %slice3A_255[0] : i32 from vector<1xi32>
          %le3A_257 = arith.cmpi sle, %squeeze3A_256, %min3A_110 : i32
          %select_n3A_258 = arith.select %le3A_257, %broadcast_in_dim3A_3, %while3A_231#0 : vector<16xf32>
          %select_n3A_259 = arith.select %le3A_257, %broadcast_in_dim3A_3, %while3A_231#1 : vector<16xf32>
          %select_n3A_260 = arith.select %le3A_257, %broadcast_in_dim3A_3, %while3A_231#2 : vector<16xf32>
          %select_n3A_261 = arith.select %le3A_257, %broadcast_in_dim3A_3, %while3A_231#3 : vector<16xf32>
          %select_n3A_262 = arith.select %le3A_257, %broadcast_in_dim3A_3, %while3A_231#4 : vector<16xf32>
          %select_n3A_263 = arith.select %le3A_257, %broadcast_in_dim3A_3, %while3A_231#5 : vector<16xf32>
          %select_n3A_264 = arith.select %le3A_257, %broadcast_in_dim3A_3, %while3A_231#6 : vector<16xf32>
          %select_n3A_265 = arith.select %le3A_257, %broadcast_in_dim3A_3, %while3A_231#7 : vector<16xf32>
          scf.yield %select_n3A_258, %select_n3A_259, %select_n3A_260, %select_n3A_261, %select_n3A_262, %select_n3A_263, %select_n3A_264, %select_n3A_265 : vector<16xf32>, vector<16xf32>, vector<16xf32>, vector<16xf32>, vector<16xf32>, vector<16xf32>, vector<16xf32>, vector<16xf32>
        }
        %while3A_196 = arith.constant 1 : i32
        %while3A_197:8 = scf.for %while3A_204 = %while3A_193 to %while3A_189 step %while3A_196 iter_args(%while3A_205 = %while3A_195#0, %while3A_206 = %while3A_195#1, %while3A_207 = %while3A_195#2, %while3A_208 = %while3A_195#3, %while3A_209 = %while3A_195#4, %while3A_210 = %while3A_195#5, %while3A_211 = %while3A_195#6, %while3A_212 = %while3A_195#7) -> (vector<16xf32>, vector<16xf32>, vector<16xf32>, vector<16xf32>, vector<16xf32>, vector<16xf32>, vector<16xf32>, vector<16xf32>)  : i32 {
          %get3A_213 = arith.index_cast %while3A_204 : i32 to index
          %get3A_214 = tpu.vector_load %arg5[%get3A_213] {strides = array<i32>} : memref<32xi32, #tpu.memory_space<vmem>>, vector<16xi32>,
          %slice3A_215 = vector.extract_strided_slice %get3A_214 {offsets = [0], sizes = [1], strides = [1]} : vector<16xi32> to vector<1xi32>
          %squeeze3A_216 = vector.extract %slice3A_215[0] : i32 from vector<1xi32>
          %max3A = arith.maxsi %squeeze3A_216, %add3A_80 : i32
          %sub3A_217 = arith.subi %max3A, %multiple_of3A : i32
          %slice3A_218 = vector.extract_strided_slice %get3A_214 {offsets = [1], sizes = [1], strides = [1]} : vector<16xi32> to vector<1xi32>
          %squeeze3A_219 = vector.extract %slice3A_218[0] : i32 from vector<1xi32>
          %min3A_220 = arith.minsi %squeeze3A_219, %min3A_110 : i32
          %sub3A_221 = arith.subi %min3A_220, %multiple_of3A : i32
          %while3A_222 = arith.subi %sub3A_221, %sub3A_217 : i32
          %while3A_223 = arith.addi %sub3A_217, %while3A_222 : i32
          %while3A_224 = arith.constant 1 : i32
          %while3A_225 = arith.divsi %while3A_222, %while3A_224 : i32
          %while3A_226 = arith.muli %while3A_225, %while3A_224 : i32
          %while3A_227 = arith.addi %sub3A_217, %while3A_226 : i32
          %while3A_228 = arith.constant 1 : i32
          %while3A_229:8 = scf.for %while3A_266 = %sub3A_217 to %while3A_227 step %while3A_228 iter_args(%while3A_267 = %while3A_205, %while3A_268 = %while3A_206, %while3A_269 = %while3A_207, %while3A_270 = %while3A_208, %while3A_271 = %while3A_209, %while3A_272 = %while3A_210, %while3A_273 = %while3A_211, %while3A_274 = %while3A_212) -> (vector<16xf32>, vector<16xf32>, vector<16xf32>, vector<16xf32>, vector<16xf32>, vector<16xf32>, vector<16xf32>, vector<16xf32>)  : i32 {
            %get3A_275 = arith.index_cast %select_n3A_77 : i32 to index
            %get3A_276 = arith.index_cast %while3A_266 : i32 to index
            %get3A_277 = arith.constant 0 : index
            %get3A_278 = tpu.vector_load %run_scoped3A[%get3A_275, %get3A_276, %get3A_277] {strides = array<i32>} : memref<3x328x128xf32, #tpu.memory_space<vmem>>, vector<16xf32>,
            %max3A_279 = arith.maximumf %while3A_267, %get3A_278 : vector<16xf32>
            %get3A_280 = arith.index_cast %select_n3A_77 : i32 to index
            %get3A_281 = arith.index_cast %while3A_266 : i32 to index
            %get3A_282 = arith.constant 16 : index
            %get3A_283 = tpu.vector_load %run_scoped3A[%get3A_280, %get3A_281, %get3A_282] {strides = array<i32>} : memref<3x328x128xf32, #tpu.memory_space<vmem>>, vector<16xf32>,
            %max3A_284 = arith.maximumf %while3A_268, %get3A_283 : vector<16xf32>
            %get3A_285 = arith.index_cast %select_n3A_77 : i32 to index
            %get3A_286 = arith.index_cast %while3A_266 : i32 to index
            %get3A_287 = arith.constant 32 : index
            %get3A_288 = tpu.vector_load %run_scoped3A[%get3A_285, %get3A_286, %get3A_287] {strides = array<i32>} : memref<3x328x128xf32, #tpu.memory_space<vmem>>, vector<16xf32>,
            %max3A_289 = arith.maximumf %while3A_269, %get3A_288 : vector<16xf32>
            %get3A_290 = arith.index_cast %select_n3A_77 : i32 to index
            %get3A_291 = arith.index_cast %while3A_266 : i32 to index
            %get3A_292 = arith.constant 48 : index
            %get3A_293 = tpu.vector_load %run_scoped3A[%get3A_290, %get3A_291, %get3A_292] {strides = array<i32>} : memref<3x328x128xf32, #tpu.memory_space<vmem>>, vector<16xf32>,
            %max3A_294 = arith.maximumf %while3A_270, %get3A_293 : vector<16xf32>
            %get3A_295 = arith.index_cast %select_n3A_77 : i32 to index
            %get3A_296 = arith.index_cast %while3A_266 : i32 to index
            %get3A_297 = arith.constant 64 : index
            %get3A_298 = tpu.vector_load %run_scoped3A[%get3A_295, %get3A_296, %get3A_297] {strides = array<i32>} : memref<3x328x128xf32, #tpu.memory_space<vmem>>, vector<16xf32>,
            %max3A_299 = arith.maximumf %while3A_271, %get3A_298 : vector<16xf32>
            %get3A_300 = arith.index_cast %select_n3A_77 : i32 to index
            %get3A_301 = arith.index_cast %while3A_266 : i32 to index
            %get3A_302 = arith.constant 80 : index
            %get3A_303 = tpu.vector_load %run_scoped3A[%get3A_300, %get3A_301, %get3A_302] {strides = array<i32>} : memref<3x328x128xf32, #tpu.memory_space<vmem>>, vector<16xf32>,
            %max3A_304 = arith.maximumf %while3A_272, %get3A_303 : vector<16xf32>
            %get3A_305 = arith.index_cast %select_n3A_77 : i32 to index
            %get3A_306 = arith.index_cast %while3A_266 : i32 to index
            %get3A_307 = arith.constant 96 : index
            %get3A_308 = tpu.vector_load %run_scoped3A[%get3A_305, %get3A_306, %get3A_307] {strides = array<i32>} : memref<3x328x128xf32, #tpu.memory_space<vmem>>, vector<16xf32>,
            %max3A_309 = arith.maximumf %while3A_273, %get3A_308 : vector<16xf32>
            %get3A_310 = arith.index_cast %select_n3A_77 : i32 to index
            %get3A_311 = arith.index_cast %while3A_266 : i32 to index
            %get3A_312 = arith.constant 112 : index
            %get3A_313 = tpu.vector_load %run_scoped3A[%get3A_310, %get3A_311, %get3A_312] {strides = array<i32>} : memref<3x328x128xf32, #tpu.memory_space<vmem>>, vector<16xf32>,
            %max3A_314 = arith.maximumf %while3A_274, %get3A_313 : vector<16xf32>
            scf.yield %max3A_279, %max3A_284, %max3A_289, %max3A_294, %max3A_299, %max3A_304, %max3A_309, %max3A_314 : vector<16xf32>, vector<16xf32>, vector<16xf32>, vector<16xf32>, vector<16xf32>, vector<16xf32>, vector<16xf32>, vector<16xf32>
          }
          %while3A_230 = arith.constant 1 : i32
          %while3A_231:8 = scf.for %while3A_266 = %while3A_227 to %while3A_223 step %while3A_230 iter_args(%while3A_267 = %while3A_229#0, %while3A_268 = %while3A_229#1, %while3A_269 = %while3A_229#2, %while3A_270 = %while3A_229#3, %while3A_271 = %while3A_229#4, %while3A_272 = %while3A_229#5, %while3A_273 = %while3A_229#6, %while3A_274 = %while3A_229#7) -> (vector<16xf32>, vector<16xf32>, vector<16xf32>, vector<16xf32>, vector<16xf32>, vector<16xf32>, vector<16xf32>, vector<16xf32>)  : i32 {
            %get3A_275 = arith.index_cast %select_n3A_77 : i32 to index
            %get3A_276 = arith.index_cast %while3A_266 : i32 to index
            %get3A_277 = arith.constant 0 : index
            %get3A_278 = tpu.vector_load %run_scoped3A[%get3A_275, %get3A_276, %get3A_277] {strides = array<i32>} : memref<3x328x128xf32, #tpu.memory_space<vmem>>, vector<16xf32>,
            %max3A_279 = arith.maximumf %while3A_267, %get3A_278 : vector<16xf32>
            %get3A_280 = arith.index_cast %select_n3A_77 : i32 to index
            %get3A_281 = arith.index_cast %while3A_266 : i32 to index
            %get3A_282 = arith.constant 16 : index
            %get3A_283 = tpu.vector_load %run_scoped3A[%get3A_280, %get3A_281, %get3A_282] {strides = array<i32>} : memref<3x328x128xf32, #tpu.memory_space<vmem>>, vector<16xf32>,
            %max3A_284 = arith.maximumf %while3A_268, %get3A_283 : vector<16xf32>
            %get3A_285 = arith.index_cast %select_n3A_77 : i32 to index
            %get3A_286 = arith.index_cast %while3A_266 : i32 to index
            %get3A_287 = arith.constant 32 : index
            %get3A_288 = tpu.vector_load %run_scoped3A[%get3A_285, %get3A_286, %get3A_287] {strides = array<i32>} : memref<3x328x128xf32, #tpu.memory_space<vmem>>, vector<16xf32>,
            %max3A_289 = arith.maximumf %while3A_269, %get3A_288 : vector<16xf32>
            %get3A_290 = arith.index_cast %select_n3A_77 : i32 to index
            %get3A_291 = arith.index_cast %while3A_266 : i32 to index
            %get3A_292 = arith.constant 48 : index
            %get3A_293 = tpu.vector_load %run_scoped3A[%get3A_290, %get3A_291, %get3A_292] {strides = array<i32>} : memref<3x328x128xf32, #tpu.memory_space<vmem>>, vector<16xf32>,
            %max3A_294 = arith.maximumf %while3A_270, %get3A_293 : vector<16xf32>
            %get3A_295 = arith.index_cast %select_n3A_77 : i32 to index
            %get3A_296 = arith.index_cast %while3A_266 : i32 to index
            %get3A_297 = arith.constant 64 : index
            %get3A_298 = tpu.vector_load %run_scoped3A[%get3A_295, %get3A_296, %get3A_297] {strides = array<i32>} : memref<3x328x128xf32, #tpu.memory_space<vmem>>, vector<16xf32>,
            %max3A_299 = arith.maximumf %while3A_271, %get3A_298 : vector<16xf32>
            %get3A_300 = arith.index_cast %select_n3A_77 : i32 to index
            %get3A_301 = arith.index_cast %while3A_266 : i32 to index
            %get3A_302 = arith.constant 80 : index
            %get3A_303 = tpu.vector_load %run_scoped3A[%get3A_300, %get3A_301, %get3A_302] {strides = array<i32>} : memref<3x328x128xf32, #tpu.memory_space<vmem>>, vector<16xf32>,
            %max3A_304 = arith.maximumf %while3A_272, %get3A_303 : vector<16xf32>
            %get3A_305 = arith.index_cast %select_n3A_77 : i32 to index
            %get3A_306 = arith.index_cast %while3A_266 : i32 to index
            %get3A_307 = arith.constant 96 : index
            %get3A_308 = tpu.vector_load %run_scoped3A[%get3A_305, %get3A_306, %get3A_307] {strides = array<i32>} : memref<3x328x128xf32, #tpu.memory_space<vmem>>, vector<16xf32>,
            %max3A_309 = arith.maximumf %while3A_273, %get3A_308 : vector<16xf32>
            %get3A_310 = arith.index_cast %select_n3A_77 : i32 to index
            %get3A_311 = arith.index_cast %while3A_266 : i32 to index
            %get3A_312 = arith.constant 112 : index
            %get3A_313 = tpu.vector_load %run_scoped3A[%get3A_310, %get3A_311, %get3A_312] {strides = array<i32>} : memref<3x328x128xf32, #tpu.memory_space<vmem>>, vector<16xf32>,
            %max3A_314 = arith.maximumf %while3A_274, %get3A_313 : vector<16xf32>
            scf.yield %max3A_279, %max3A_284, %max3A_289, %max3A_294, %max3A_299, %max3A_304, %max3A_309, %max3A_314 : vector<16xf32>, vector<16xf32>, vector<16xf32>, vector<16xf32>, vector<16xf32>, vector<16xf32>, vector<16xf32>, vector<16xf32>
          }
          %swap3A = arith.index_cast %while3A_204 : i32 to index
          %swap3A_232 = arith.constant 0 : index
          %swap3A_233 = tpu.vector_load %arg6[%swap3A, %swap3A_232] {strides = array<i32>} : memref<16x128xf32, #tpu.memory_space<vmem>>, vector<16xf32>,
          tpu.vector_store %arg6[%swap3A, %swap3A_232], %while3A_231#0 {strides = array<i32>} : memref<16x128xf32, #tpu.memory_space<vmem>>, vector<16xf32>,
          %swap3A_234 = arith.index_cast %while3A_204 : i32 to index
          %swap3A_235 = arith.constant 16 : index
          %swap3A_236 = tpu.vector_load %arg6[%swap3A_234, %swap3A_235] {strides = array<i32>} : memref<16x128xf32, #tpu.memory_space<vmem>>, vector<16xf32>,
          tpu.vector_store %arg6[%swap3A_234, %swap3A_235], %while3A_231#1 {strides = array<i32>} : memref<16x128xf32, #tpu.memory_space<vmem>>, vector<16xf32>,
          %swap3A_237 = arith.index_cast %while3A_204 : i32 to index
          %swap3A_238 = arith.constant 32 : index
          %swap3A_239 = tpu.vector_load %arg6[%swap3A_237, %swap3A_238] {strides = array<i32>} : memref<16x128xf32, #tpu.memory_space<vmem>>, vector<16xf32>,
          tpu.vector_store %arg6[%swap3A_237, %swap3A_238], %while3A_231#2 {strides = array<i32>} : memref<16x128xf32, #tpu.memory_space<vmem>>, vector<16xf32>,
          %swap3A_240 = arith.index_cast %while3A_204 : i32 to index
          %swap3A_241 = arith.constant 48 : index
          %swap3A_242 = tpu.vector_load %arg6[%swap3A_240, %swap3A_241] {strides = array<i32>} : memref<16x128xf32, #tpu.memory_space<vmem>>, vector<16xf32>,
          tpu.vector_store %arg6[%swap3A_240, %swap3A_241], %while3A_231#3 {strides = array<i32>} : memref<16x128xf32, #tpu.memory_space<vmem>>, vector<16xf32>,
          %swap3A_243 = arith.index_cast %while3A_204 : i32 to index
          %swap3A_244 = arith.constant 64 : index
          %swap3A_245 = tpu.vector_load %arg6[%swap3A_243, %swap3A_244] {strides = array<i32>} : memref<16x128xf32, #tpu.memory_space<vmem>>, vector<16xf32>,
          tpu.vector_store %arg6[%swap3A_243, %swap3A_244], %while3A_231#4 {strides = array<i32>} : memref<16x128xf32, #tpu.memory_space<vmem>>, vector<16xf32>,
          %swap3A_246 = arith.index_cast %while3A_204 : i32 to index
          %swap3A_247 = arith.constant 80 : index
          %swap3A_248 = tpu.vector_load %arg6[%swap3A_246, %swap3A_247] {strides = array<i32>} : memref<16x128xf32, #tpu.memory_space<vmem>>, vector<16xf32>,
          tpu.vector_store %arg6[%swap3A_246, %swap3A_247], %while3A_231#5 {strides = array<i32>} : memref<16x128xf32, #tpu.memory_space<vmem>>, vector<16xf32>,
          %swap3A_249 = arith.index_cast %while3A_204 : i32 to index
          %swap3A_250 = arith.constant 96 : index
          %swap3A_251 = tpu.vector_load %arg6[%swap3A_249, %swap3A_250] {strides = array<i32>} : memref<16x128xf32, #tpu.memory_space<vmem>>, vector<16xf32>,
          tpu.vector_store %arg6[%swap3A_249, %swap3A_250], %while3A_231#6 {strides = array<i32>} : memref<16x128xf32, #tpu.memory_space<vmem>>, vector<16xf32>,
          %swap3A_252 = arith.index_cast %while3A_204 : i32 to index
          %swap3A_253 = arith.constant 112 : index
          %swap3A_254 = tpu.vector_load %arg6[%swap3A_252, %swap3A_253] {strides = array<i32>} : memref<16x128xf32, #tpu.memory_space<vmem>>, vector<16xf32>,
          tpu.vector_store %arg6[%swap3A_252, %swap3A_253], %while3A_231#7 {strides = array<i32>} : memref<16x128xf32, #tpu.memory_space<vmem>>, vector<16xf32>,
          %slice3A_255 = vector.extract_strided_slice %get3A_214 {offsets = [1], sizes = [1], strides = [1]} : vector<16xi32> to vector<1xi32>
          %squeeze3A_256 = vector.extract %slice3A_255[0] : i32 from vector<1xi32>
          %le3A_257 = arith.cmpi sle, %squeeze3A_256, %min3A_110 : i32
          %select_n3A_258 = arith.select %le3A_257, %broadcast_in_dim3A_3, %while3A_231#0 : vector<16xf32>
          %select_n3A_259 = arith.select %le3A_257, %broadcast_in_dim3A_3, %while3A_231#1 : vector<16xf32>
          %select_n3A_260 = arith.select %le3A_257, %broadcast_in_dim3A_3, %while3A_231#2 : vector<16xf32>
          %select_n3A_261 = arith.select %le3A_257, %broadcast_in_dim3A_3, %while3A_231#3 : vector<16xf32>
          %select_n3A_262 = arith.select %le3A_257, %broadcast_in_dim3A_3, %while3A_231#4 : vector<16xf32>
          %select_n3A_263 = arith.select %le3A_257, %broadcast_in_dim3A_3, %while3A_231#5 : vector<16xf32>
          %select_n3A_264 = arith.select %le3A_257, %broadcast_in_dim3A_3, %while3A_231#6 : vector<16xf32>
          %select_n3A_265 = arith.select %le3A_257, %broadcast_in_dim3A_3, %while3A_231#7 : vector<16xf32>
          scf.yield %select_n3A_258, %select_n3A_259, %select_n3A_260, %select_n3A_261, %select_n3A_262, %select_n3A_263, %select_n3A_264, %select_n3A_265 : vector<16xf32>, vector<16xf32>, vector<16xf32>, vector<16xf32>, vector<16xf32>, vector<16xf32>, vector<16xf32>, vector<16xf32>
        }
        %get3A_198 = arith.index_cast %sub3A_185 : i32 to index
        %get3A_199 = tpu.vector_load %arg5[%get3A_198] {strides = array<i32>} : memref<32xi32, #tpu.memory_space<vmem>>, vector<16xi32>,
        %slice3A_200 = vector.extract_strided_slice %get3A_199 {offsets = [1], sizes = [1], strides = [1]} : vector<16xi32> to vector<1xi32>
        %squeeze3A_201 = vector.extract %slice3A_200[0] : i32 from vector<1xi32>
        %le3A = arith.cmpi sle, %squeeze3A_201, %min3A_110 : i32
        %convert_element_type3A_202 = arith.extui %le3A : i1 to i32
        %add3A_203 = arith.addi %sub3A_185, %convert_element_type3A_202 : i32
        scf.yield %add3A_203, %while3A_197#0, %while3A_197#1, %while3A_197#2, %while3A_197#3, %while3A_197#4, %while3A_197#5, %while3A_197#6, %while3A_197#7 : i32, vector<16xf32>, vector<16xf32>, vector<16xf32>, vector<16xf32>, vector<16xf32>, vector<16xf32>, vector<16xf32>, vector<16xf32>
      }
      %while3A_52 = arith.constant 1 : i32
      %while3A_53:9 = scf.for %while3A_54 = %while3A_49 to %while3A_45 step %while3A_52 iter_args(%while3A_55 = %while3A_51#0, %while3A_56 = %while3A_51#1, %while3A_57 = %while3A_51#2, %while3A_58 = %while3A_51#3, %while3A_59 = %while3A_51#4, %while3A_60 = %while3A_51#5, %while3A_61 = %while3A_51#6, %while3A_62 = %while3A_51#7, %while3A_63 = %while3A_51#8) -> (i32, vector<16xf32>, vector<16xf32>, vector<16xf32>, vector<16xf32>, vector<16xf32>, vector<16xf32>, vector<16xf32>, vector<16xf32>)  : i32 {
        %jit3A_64 = arith.constant 3 : i32
        %eq3A = arith.constant 0 : i32
        %eq3A_65 = arith.cmpi eq, %jit3A_64, %eq3A : i32
        %jit3A_66 = arith.constant 1 : i32
        %select_n3A_67 = arith.select %eq3A_65, %jit3A_66, %jit3A_64 : i32
        %rem3A_68 = arith.remsi %while3A_54, %select_n3A_67 : i32
        %ne3A_69 = arith.constant 0 : i32
        %ne3A_70 = arith.cmpi ne, %rem3A_68, %ne3A_69 : i32
        %lt3A = arith.constant 0 : i32
        %lt3A_71 = arith.cmpi slt, %rem3A_68, %lt3A : i32
        %lt3A_72 = arith.constant 0 : i32
        %lt3A_73 = arith.cmpi slt, %select_n3A_67, %lt3A_72 : i32
        %ne3A_74 = arith.xori %lt3A_71, %lt3A_73 : i1
        %and3A_75 = arith.andi %ne3A_74, %ne3A_70 : i1
        %add3A_76 = arith.addi %rem3A_68, %select_n3A_67 : i32
        %select_n3A_77 = arith.select %and3A_75, %add3A_76, %rem3A_68 : i32
        %mul3A_78 = arith.constant 320 : i32
        %mul3A_79 = arith.muli %while3A_54, %mul3A_78 : i32
        %add3A_80 = arith.addi %squeeze3A, %mul3A_79 : i32
        %jit3A_81 = arith.constant 8 : i32
        %div3A_82 = arith.divsi %add3A_80, %jit3A_81 : i32
        %sign3A_83 = arith.constant 0 : i32
        %sign3A_84 = arith.cmpi sgt, %add3A_80, %sign3A_83 : i32
        %sign3A_85 = arith.extui %sign3A_84 : i1 to i32
        %sign3A_86 = arith.constant 0 : i32
        %sign3A_87 = arith.cmpi slt, %add3A_80, %sign3A_86 : i32
        %sign3A_88 = arith.extui %sign3A_87 : i1 to i32
        %sign3A_89 = arith.subi %sign3A_85, %sign3A_88 : i32
        %sign3A_90 = arith.constant 0 : i32
        %sign3A_91 = arith.cmpi sgt, %jit3A_81, %sign3A_90 : i32
        %sign3A_92 = arith.extui %sign3A_91 : i1 to i32
        %sign3A_93 = arith.constant 0 : i32
        %sign3A_94 = arith.cmpi slt, %jit3A_81, %sign3A_93 : i32
        %sign3A_95 = arith.extui %sign3A_94 : i1 to i32
        %sign3A_96 = arith.subi %sign3A_92, %sign3A_95 : i32
        %ne3A_97 = arith.cmpi ne, %sign3A_89, %sign3A_96 : i32
        %rem3A_98 = arith.remsi %add3A_80, %jit3A_81 : i32
        %ne3A_99 = arith.constant 0 : i32
        %ne3A_100 = arith.cmpi ne, %rem3A_98, %ne3A_99 : i32
        %and3A_101 = arith.andi %ne3A_97, %ne3A_100 : i1
        %sub3A_102 = arith.constant 1 : i32
        %sub3A_103 = arith.subi %div3A_82, %sub3A_102 : i32
        %select_n3A_104 = arith.select %and3A_101, %sub3A_103, %div3A_82 : i32
        %mul3A_105 = arith.constant 8 : i32
        %mul3A_106 = arith.muli %select_n3A_104, %mul3A_105 : i32
        %min3A = arith.constant 99672 : i32
        %min3A_107 = arith.minsi %mul3A_106, %min3A : i32
        %multiple_of3A = tpu.assume_multiple %min3A_107, 8 : i32
        %add3A_108 = arith.constant 320 : i32
        %add3A_109 = arith.addi %add3A_80, %add3A_108 : i32
        %min3A_110 = arith.minsi %add3A_109, %squeeze3A_14 : i32
        %mul3A_111 = arith.constant 320 : i32
        %mul3A_112 = arith.muli %while3A_54, %mul3A_111 : i32
        %add3A_113 = arith.addi %squeeze3A, %mul3A_112 : i32
        %jit3A_114 = arith.constant 8 : i32
        %div3A_115 = arith.divsi %add3A_113, %jit3A_114 : i32
        %sign3A_116 = arith.constant 0 : i32
        %sign3A_117 = arith.cmpi sgt, %add3A_113, %sign3A_116 : i32
        %sign3A_118 = arith.extui %sign3A_117 : i1 to i32
        %sign3A_119 = arith.constant 0 : i32
        %sign3A_120 = arith.cmpi slt, %add3A_113, %sign3A_119 : i32
        %sign3A_121 = arith.extui %sign3A_120 : i1 to i32
        %sign3A_122 = arith.subi %sign3A_118, %sign3A_121 : i32
        %sign3A_123 = arith.constant 0 : i32
        %sign3A_124 = arith.cmpi sgt, %jit3A_114, %sign3A_123 : i32
        %sign3A_125 = arith.extui %sign3A_124 : i1 to i32
        %sign3A_126 = arith.constant 0 : i32
        %sign3A_127 = arith.cmpi slt, %jit3A_114, %sign3A_126 : i32
        %sign3A_128 = arith.extui %sign3A_127 : i1 to i32
        %sign3A_129 = arith.subi %sign3A_125, %sign3A_128 : i32
        %ne3A_130 = arith.cmpi ne, %sign3A_122, %sign3A_129 : i32
        %rem3A_131 = arith.remsi %add3A_113, %jit3A_114 : i32
        %ne3A_132 = arith.constant 0 : i32
        %ne3A_133 = arith.cmpi ne, %rem3A_131, %ne3A_132 : i32
        %and3A_134 = arith.andi %ne3A_130, %ne3A_133 : i1
        %sub3A_135 = arith.constant 1 : i32
        %sub3A_136 = arith.subi %div3A_115, %sub3A_135 : i32
        %select_n3A_137 = arith.select %and3A_134, %sub3A_136, %div3A_115 : i32
        %mul3A_138 = arith.constant 8 : i32
        %mul3A_139 = arith.muli %select_n3A_137, %mul3A_138 : i32
        %min3A_140 = arith.constant 99672 : i32
        %min3A_141 = arith.minsi %mul3A_139, %min3A_140 : i32
        %multiple_of3A_142 = tpu.assume_multiple %min3A_141, 8 : i32
        %jit3A_143 = arith.constant 3 : i32
        %eq3A_144 = arith.constant 0 : i32
        %eq3A_145 = arith.cmpi eq, %jit3A_143, %eq3A_144 : i32
        %jit3A_146 = arith.constant 1 : i32
        %select_n3A_147 = arith.select %eq3A_145, %jit3A_146, %jit3A_143 : i32
        %rem3A_148 = arith.remsi %while3A_54, %select_n3A_147 : i32
        %ne3A_149 = arith.constant 0 : i32
        %ne3A_150 = arith.cmpi ne, %rem3A_148, %ne3A_149 : i32
        %lt3A_151 = arith.constant 0 : i32
        %lt3A_152 = arith.cmpi slt, %rem3A_148, %lt3A_151 : i32
        %lt3A_153 = arith.constant 0 : i32
        %lt3A_154 = arith.cmpi slt, %select_n3A_147, %lt3A_153 : i32
        %ne3A_155 = arith.xori %lt3A_152, %lt3A_154 : i1
        %and3A_156 = arith.andi %ne3A_155, %ne3A_150 : i1
        %add3A_157 = arith.addi %rem3A_148, %select_n3A_147 : i32
        %select_n3A_158 = arith.select %and3A_156, %add3A_157, %rem3A_148 : i32
        %dma_wait3A = arith.constant 0 : i32
        %dma_wait3A_159 = arith.constant 0 : i32
        %dma_wait3A_160 = tpu.memref_slice %run_scoped3A[%select_n3A_158, %dma_wait3A, %dma_wait3A_159] : memref<3x328x128xf32, #tpu.memory_space<vmem>> -> memref<1x328x128xf32, #tpu.memory_space<vmem>>
        %dma_wait3A_161 = tpu.memref_squeeze %dma_wait3A_160 : memref<1x328x128xf32, #tpu.memory_space<vmem>> -> memref<328x128xf32, #tpu.memory_space<vmem>>
        %dma_wait3A_162 = arith.constant 0 : i32
        %dma_wait3A_163 = tpu.memref_slice %arg2[%multiple_of3A_142, %dma_wait3A_162] : memref<100000x128xf32, #tpu.memory_space<hbm>> -> memref<328x128xf32, #tpu.memory_space<hbm>>
        %dma_wait3A_164 = tpu.memref_slice %arg10[%select_n3A_158] : memref<3x!tpu.dma_semaphore, #tpu.memory_space<semaphore_mem>> -> memref<1x!tpu.dma_semaphore, #tpu.memory_space<semaphore_mem>>
        %dma_wait3A_165 = tpu.memref_squeeze %dma_wait3A_164 : memref<1x!tpu.dma_semaphore, #tpu.memory_space<semaphore_mem>> -> memref<!tpu.dma_semaphore, #tpu.memory_space<semaphore_mem>>
        %dma_wait3A_166 = arith.constant 0 : i32
        %dma_wait3A_167 = arith.constant 0 : i32
        %dma_wait3A_168 = tpu.memref_slice %run_scoped3A[%select_n3A_158, %dma_wait3A_166, %dma_wait3A_167] : memref<3x328x128xf32, #tpu.memory_space<vmem>> -> memref<1x328x128xf32, #tpu.memory_space<vmem>>
        %dma_wait3A_169 = tpu.memref_squeeze %dma_wait3A_168 : memref<1x328x128xf32, #tpu.memory_space<vmem>> -> memref<328x128xf32, #tpu.memory_space<vmem>>
        %dma_wait3A_170 = arith.constant 0 : i32
        %dma_wait3A_171 = tpu.memref_slice %arg2[%multiple_of3A_142, %dma_wait3A_170] : memref<100000x128xf32, #tpu.memory_space<hbm>> -> memref<328x128xf32, #tpu.memory_space<hbm>>
        tpu.wait_dma2 semaphore(%dma_wait3A_165 : memref<!tpu.dma_semaphore, #tpu.memory_space<semaphore_mem>>) src(%dma_wait3A_171 : memref<328x128xf32, #tpu.memory_space<hbm>>) dst(%dma_wait3A_169 : memref<328x128xf32, #tpu.memory_space<vmem>>)
        %add3A_172 = arith.constant 3 : i32
        %add3A_173 = arith.addi %while3A_54, %add3A_172 : i32
        %sub3A_174 = arith.constant 1 : i32
        %sub3A_175 = arith.subi %add3A_173, %sub3A_174 : i32
        %lt3A_176 = arith.cmpi slt, %sub3A_175, %select_n3A : i32
        %convert_element_type3A_177 = arith.extui %lt3A_176 : i1 to i32
        %cond3A_178 = arith.constant 0 : i32
        %cond3A_179 = arith.cmpi ne, %convert_element_type3A_177, %cond3A_178 : i32
        scf.if %cond3A_179 {
          %add3A_204 = arith.constant 3 : i32
          %add3A_205 = arith.addi %while3A_54, %add3A_204 : i32
          %sub3A_206 = arith.constant 1 : i32
          %sub3A_207 = arith.subi %add3A_205, %sub3A_206 : i32
          %mul3A_208 = arith.constant 320 : i32
          %mul3A_209 = arith.muli %sub3A_207, %mul3A_208 : i32
          %add3A_210 = arith.addi %squeeze3A, %mul3A_209 : i32
          %jit3A_211 = arith.constant 8 : i32
          %div3A_212 = arith.divsi %add3A_210, %jit3A_211 : i32
          %sign3A_213 = arith.constant 0 : i32
          %sign3A_214 = arith.cmpi sgt, %add3A_210, %sign3A_213 : i32
          %sign3A_215 = arith.extui %sign3A_214 : i1 to i32
          %sign3A_216 = arith.constant 0 : i32
          %sign3A_217 = arith.cmpi slt, %add3A_210, %sign3A_216 : i32
          %sign3A_218 = arith.extui %sign3A_217 : i1 to i32
          %sign3A_219 = arith.subi %sign3A_215, %sign3A_218 : i32
          %sign3A_220 = arith.constant 0 : i32
          %sign3A_221 = arith.cmpi sgt, %jit3A_211, %sign3A_220 : i32
          %sign3A_222 = arith.extui %sign3A_221 : i1 to i32
          %sign3A_223 = arith.constant 0 : i32
          %sign3A_224 = arith.cmpi slt, %jit3A_211, %sign3A_223 : i32
          %sign3A_225 = arith.extui %sign3A_224 : i1 to i32
          %sign3A_226 = arith.subi %sign3A_222, %sign3A_225 : i32
          %ne3A_227 = arith.cmpi ne, %sign3A_219, %sign3A_226 : i32
          %rem3A_228 = arith.remsi %add3A_210, %jit3A_211 : i32
          %ne3A_229 = arith.constant 0 : i32
          %ne3A_230 = arith.cmpi ne, %rem3A_228, %ne3A_229 : i32
          %and3A_231 = arith.andi %ne3A_227, %ne3A_230 : i1
          %sub3A_232 = arith.constant 1 : i32
          %sub3A_233 = arith.subi %div3A_212, %sub3A_232 : i32
          %select_n3A_234 = arith.select %and3A_231, %sub3A_233, %div3A_212 : i32
          %mul3A_235 = arith.constant 8 : i32
          %mul3A_236 = arith.muli %select_n3A_234, %mul3A_235 : i32
          %min3A_237 = arith.constant 99672 : i32
          %min3A_238 = arith.minsi %mul3A_236, %min3A_237 : i32
          %multiple_of3A_239 = tpu.assume_multiple %min3A_238, 8 : i32
          %jit3A_240 = arith.constant 3 : i32
          %eq3A_241 = arith.constant 0 : i32
          %eq3A_242 = arith.cmpi eq, %jit3A_240, %eq3A_241 : i32
          %jit3A_243 = arith.constant 1 : i32
          %select_n3A_244 = arith.select %eq3A_242, %jit3A_243, %jit3A_240 : i32
          %rem3A_245 = arith.remsi %sub3A_207, %select_n3A_244 : i32
          %ne3A_246 = arith.constant 0 : i32
          %ne3A_247 = arith.cmpi ne, %rem3A_245, %ne3A_246 : i32
          %lt3A_248 = arith.constant 0 : i32
          %lt3A_249 = arith.cmpi slt, %rem3A_245, %lt3A_248 : i32
          %lt3A_250 = arith.constant 0 : i32
          %lt3A_251 = arith.cmpi slt, %select_n3A_244, %lt3A_250 : i32
          %ne3A_252 = arith.xori %lt3A_249, %lt3A_251 : i1
          %and3A_253 = arith.andi %ne3A_252, %ne3A_247 : i1
          %add3A_254 = arith.addi %rem3A_245, %select_n3A_244 : i32
          %select_n3A_255 = arith.select %and3A_253, %add3A_254, %rem3A_245 : i32
          %dma_start3A = arith.constant 0 : i32
          %dma_start3A_256 = arith.constant 0 : i32
          %dma_start3A_257 = tpu.memref_slice %run_scoped3A[%select_n3A_255, %dma_start3A, %dma_start3A_256] : memref<3x328x128xf32, #tpu.memory_space<vmem>> -> memref<1x328x128xf32, #tpu.memory_space<vmem>>
          %dma_start3A_258 = tpu.memref_squeeze %dma_start3A_257 : memref<1x328x128xf32, #tpu.memory_space<vmem>> -> memref<328x128xf32, #tpu.memory_space<vmem>>
          %dma_start3A_259 = arith.constant 0 : i32
          %dma_start3A_260 = tpu.memref_slice %arg2[%multiple_of3A_239, %dma_start3A_259] : memref<100000x128xf32, #tpu.memory_space<hbm>> -> memref<328x128xf32, #tpu.memory_space<hbm>>
          %dma_start3A_261 = tpu.memref_slice %arg10[%select_n3A_255] : memref<3x!tpu.dma_semaphore, #tpu.memory_space<semaphore_mem>> -> memref<1x!tpu.dma_semaphore, #tpu.memory_space<semaphore_mem>>
          %dma_start3A_262 = tpu.memref_squeeze %dma_start3A_261 : memref<1x!tpu.dma_semaphore, #tpu.memory_space<semaphore_mem>> -> memref<!tpu.dma_semaphore, #tpu.memory_space<semaphore_mem>>
          %dma_start3A_263 = arith.constant 0 : i32
          %dma_start3A_264 = arith.constant 0 : i32
          %dma_start3A_265 = tpu.memref_slice %run_scoped3A[%select_n3A_255, %dma_start3A_263, %dma_start3A_264] : memref<3x328x128xf32, #tpu.memory_space<vmem>> -> memref<1x328x128xf32, #tpu.memory_space<vmem>>
          %dma_start3A_266 = tpu.memref_squeeze %dma_start3A_265 : memref<1x328x128xf32, #tpu.memory_space<vmem>> -> memref<328x128xf32, #tpu.memory_space<vmem>>
          %dma_start3A_267 = arith.constant 0 : i32
          %dma_start3A_268 = tpu.memref_slice %arg2[%multiple_of3A_239, %dma_start3A_267] : memref<100000x128xf32, #tpu.memory_space<hbm>> -> memref<328x128xf32, #tpu.memory_space<hbm>>
          tpu.enqueue_dma source(%dma_start3A_268 : memref<328x128xf32, #tpu.memory_space<hbm>>) target(%dma_start3A_266 : memref<328x128xf32, #tpu.memory_space<vmem>>) target_semaphore(%dma_start3A_262 : memref<!tpu.dma_semaphore, #tpu.memory_space<semaphore_mem>>)
        } else {
        }
        %lt3A_180 = vector.broadcast %min3A_110 : i32 to vector<16xi32>
        %lt3A_181 = arith.cmpi slt, %get3A_10, %lt3A_180 : vector<16xi32>
        %all_reduce_population_count3A = tpu.all_reduce %lt3A_181 {dim = 0 : i64, kind = #tpu.reduction_kind<sum>} : vector<16xi1> -> vector<16xi32>
        %slice3A_182 = vector.extract_strided_slice %all_reduce_population_count3A {offsets = [0], sizes = [1], strides = [1]} : vector<16xi32> to vector<1xi32>
        %squeeze3A_183 = vector.extract %slice3A_182[0] : i32 from vector<1xi32>
        %sub3A_184 = arith.constant 1 : i32
        %sub3A_185 = arith.subi %squeeze3A_183, %sub3A_184 : i32
        %add3A_186 = arith.constant 1 : i32
        %add3A_187 = arith.addi %sub3A_185, %add3A_186 : i32
        %while3A_188 = arith.subi %add3A_187, %while3A_55 : i32
        %while3A_189 = arith.addi %while3A_55, %while3A_188 : i32
        %while3A_190 = arith.constant 1 : i32
        %while3A_191 = arith.divsi %while3A_188, %while3A_190 : i32
        %while3A_192 = arith.muli %while3A_191, %while3A_190 : i32
        %while3A_193 = arith.addi %while3A_55, %while3A_192 : i32
        %while3A_194 = arith.constant 1 : i32
        %while3A_195:8 = scf.for %while3A_204 = %while3A_55 to %while3A_193 step %while3A_194 iter_args(%while3A_205 = %while3A_56, %while3A_206 = %while3A_57, %while3A_207 = %while3A_58, %while3A_208 = %while3A_59, %while3A_209 = %while3A_60, %while3A_210 = %while3A_61, %while3A_211 = %while3A_62, %while3A_212 = %while3A_63) -> (vector<16xf32>, vector<16xf32>, vector<16xf32>, vector<16xf32>, vector<16xf32>, vector<16xf32>, vector<16xf32>, vector<16xf32>)  : i32 {
          %get3A_213 = arith.index_cast %while3A_204 : i32 to index
          %get3A_214 = tpu.vector_load %arg5[%get3A_213] {strides = array<i32>} : memref<32xi32, #tpu.memory_space<vmem>>, vector<16xi32>,
          %slice3A_215 = vector.extract_strided_slice %get3A_214 {offsets = [0], sizes = [1], strides = [1]} : vector<16xi32> to vector<1xi32>
          %squeeze3A_216 = vector.extract %slice3A_215[0] : i32 from vector<1xi32>
          %max3A = arith.maxsi %squeeze3A_216, %add3A_80 : i32
          %sub3A_217 = arith.subi %max3A, %multiple_of3A : i32
          %slice3A_218 = vector.extract_strided_slice %get3A_214 {offsets = [1], sizes = [1], strides = [1]} : vector<16xi32> to vector<1xi32>
          %squeeze3A_219 = vector.extract %slice3A_218[0] : i32 from vector<1xi32>
          %min3A_220 = arith.minsi %squeeze3A_219, %min3A_110 : i32
          %sub3A_221 = arith.subi %min3A_220, %multiple_of3A : i32
          %while3A_222 = arith.subi %sub3A_221, %sub3A_217 : i32
          %while3A_223 = arith.addi %sub3A_217, %while3A_222 : i32
          %while3A_224 = arith.constant 1 : i32
          %while3A_225 = arith.divsi %while3A_222, %while3A_224 : i32
          %while3A_226 = arith.muli %while3A_225, %while3A_224 : i32
          %while3A_227 = arith.addi %sub3A_217, %while3A_226 : i32
          %while3A_228 = arith.constant 1 : i32
          %while3A_229:8 = scf.for %while3A_266 = %sub3A_217 to %while3A_227 step %while3A_228 iter_args(%while3A_267 = %while3A_205, %while3A_268 = %while3A_206, %while3A_269 = %while3A_207, %while3A_270 = %while3A_208, %while3A_271 = %while3A_209, %while3A_272 = %while3A_210, %while3A_273 = %while3A_211, %while3A_274 = %while3A_212) -> (vector<16xf32>, vector<16xf32>, vector<16xf32>, vector<16xf32>, vector<16xf32>, vector<16xf32>, vector<16xf32>, vector<16xf32>)  : i32 {
            %get3A_275 = arith.index_cast %select_n3A_77 : i32 to index
            %get3A_276 = arith.index_cast %while3A_266 : i32 to index
            %get3A_277 = arith.constant 0 : index
            %get3A_278 = tpu.vector_load %run_scoped3A[%get3A_275, %get3A_276, %get3A_277] {strides = array<i32>} : memref<3x328x128xf32, #tpu.memory_space<vmem>>, vector<16xf32>,
            %max3A_279 = arith.maximumf %while3A_267, %get3A_278 : vector<16xf32>
            %get3A_280 = arith.index_cast %select_n3A_77 : i32 to index
            %get3A_281 = arith.index_cast %while3A_266 : i32 to index
            %get3A_282 = arith.constant 16 : index
            %get3A_283 = tpu.vector_load %run_scoped3A[%get3A_280, %get3A_281, %get3A_282] {strides = array<i32>} : memref<3x328x128xf32, #tpu.memory_space<vmem>>, vector<16xf32>,
            %max3A_284 = arith.maximumf %while3A_268, %get3A_283 : vector<16xf32>
            %get3A_285 = arith.index_cast %select_n3A_77 : i32 to index
            %get3A_286 = arith.index_cast %while3A_266 : i32 to index
            %get3A_287 = arith.constant 32 : index
            %get3A_288 = tpu.vector_load %run_scoped3A[%get3A_285, %get3A_286, %get3A_287] {strides = array<i32>} : memref<3x328x128xf32, #tpu.memory_space<vmem>>, vector<16xf32>,
            %max3A_289 = arith.maximumf %while3A_269, %get3A_288 : vector<16xf32>
            %get3A_290 = arith.index_cast %select_n3A_77 : i32 to index
            %get3A_291 = arith.index_cast %while3A_266 : i32 to index
            %get3A_292 = arith.constant 48 : index
            %get3A_293 = tpu.vector_load %run_scoped3A[%get3A_290, %get3A_291, %get3A_292] {strides = array<i32>} : memref<3x328x128xf32, #tpu.memory_space<vmem>>, vector<16xf32>,
            %max3A_294 = arith.maximumf %while3A_270, %get3A_293 : vector<16xf32>
            %get3A_295 = arith.index_cast %select_n3A_77 : i32 to index
            %get3A_296 = arith.index_cast %while3A_266 : i32 to index
            %get3A_297 = arith.constant 64 : index
            %get3A_298 = tpu.vector_load %run_scoped3A[%get3A_295, %get3A_296, %get3A_297] {strides = array<i32>} : memref<3x328x128xf32, #tpu.memory_space<vmem>>, vector<16xf32>,
            %max3A_299 = arith.maximumf %while3A_271, %get3A_298 : vector<16xf32>
            %get3A_300 = arith.index_cast %select_n3A_77 : i32 to index
            %get3A_301 = arith.index_cast %while3A_266 : i32 to index
            %get3A_302 = arith.constant 80 : index
            %get3A_303 = tpu.vector_load %run_scoped3A[%get3A_300, %get3A_301, %get3A_302] {strides = array<i32>} : memref<3x328x128xf32, #tpu.memory_space<vmem>>, vector<16xf32>,
            %max3A_304 = arith.maximumf %while3A_272, %get3A_303 : vector<16xf32>
            %get3A_305 = arith.index_cast %select_n3A_77 : i32 to index
            %get3A_306 = arith.index_cast %while3A_266 : i32 to index
            %get3A_307 = arith.constant 96 : index
            %get3A_308 = tpu.vector_load %run_scoped3A[%get3A_305, %get3A_306, %get3A_307] {strides = array<i32>} : memref<3x328x128xf32, #tpu.memory_space<vmem>>, vector<16xf32>,
            %max3A_309 = arith.maximumf %while3A_273, %get3A_308 : vector<16xf32>
            %get3A_310 = arith.index_cast %select_n3A_77 : i32 to index
            %get3A_311 = arith.index_cast %while3A_266 : i32 to index
            %get3A_312 = arith.constant 112 : index
            %get3A_313 = tpu.vector_load %run_scoped3A[%get3A_310, %get3A_311, %get3A_312] {strides = array<i32>} : memref<3x328x128xf32, #tpu.memory_space<vmem>>, vector<16xf32>,
            %max3A_314 = arith.maximumf %while3A_274, %get3A_313 : vector<16xf32>
            scf.yield %max3A_279, %max3A_284, %max3A_289, %max3A_294, %max3A_299, %max3A_304, %max3A_309, %max3A_314 : vector<16xf32>, vector<16xf32>, vector<16xf32>, vector<16xf32>, vector<16xf32>, vector<16xf32>, vector<16xf32>, vector<16xf32>
          }
          %while3A_230 = arith.constant 1 : i32
          %while3A_231:8 = scf.for %while3A_266 = %while3A_227 to %while3A_223 step %while3A_230 iter_args(%while3A_267 = %while3A_229#0, %while3A_268 = %while3A_229#1, %while3A_269 = %while3A_229#2, %while3A_270 = %while3A_229#3, %while3A_271 = %while3A_229#4, %while3A_272 = %while3A_229#5, %while3A_273 = %while3A_229#6, %while3A_274 = %while3A_229#7) -> (vector<16xf32>, vector<16xf32>, vector<16xf32>, vector<16xf32>, vector<16xf32>, vector<16xf32>, vector<16xf32>, vector<16xf32>)  : i32 {
            %get3A_275 = arith.index_cast %select_n3A_77 : i32 to index
            %get3A_276 = arith.index_cast %while3A_266 : i32 to index
            %get3A_277 = arith.constant 0 : index
            %get3A_278 = tpu.vector_load %run_scoped3A[%get3A_275, %get3A_276, %get3A_277] {strides = array<i32>} : memref<3x328x128xf32, #tpu.memory_space<vmem>>, vector<16xf32>,
            %max3A_279 = arith.maximumf %while3A_267, %get3A_278 : vector<16xf32>
            %get3A_280 = arith.index_cast %select_n3A_77 : i32 to index
            %get3A_281 = arith.index_cast %while3A_266 : i32 to index
            %get3A_282 = arith.constant 16 : index
            %get3A_283 = tpu.vector_load %run_scoped3A[%get3A_280, %get3A_281, %get3A_282] {strides = array<i32>} : memref<3x328x128xf32, #tpu.memory_space<vmem>>, vector<16xf32>,
            %max3A_284 = arith.maximumf %while3A_268, %get3A_283 : vector<16xf32>
            %get3A_285 = arith.index_cast %select_n3A_77 : i32 to index
            %get3A_286 = arith.index_cast %while3A_266 : i32 to index
            %get3A_287 = arith.constant 32 : index
            %get3A_288 = tpu.vector_load %run_scoped3A[%get3A_285, %get3A_286, %get3A_287] {strides = array<i32>} : memref<3x328x128xf32, #tpu.memory_space<vmem>>, vector<16xf32>,
            %max3A_289 = arith.maximumf %while3A_269, %get3A_288 : vector<16xf32>
            %get3A_290 = arith.index_cast %select_n3A_77 : i32 to index
            %get3A_291 = arith.index_cast %while3A_266 : i32 to index
            %get3A_292 = arith.constant 48 : index
            %get3A_293 = tpu.vector_load %run_scoped3A[%get3A_290, %get3A_291, %get3A_292] {strides = array<i32>} : memref<3x328x128xf32, #tpu.memory_space<vmem>>, vector<16xf32>,
            %max3A_294 = arith.maximumf %while3A_270, %get3A_293 : vector<16xf32>
            %get3A_295 = arith.index_cast %select_n3A_77 : i32 to index
            %get3A_296 = arith.index_cast %while3A_266 : i32 to index
            %get3A_297 = arith.constant 64 : index
            %get3A_298 = tpu.vector_load %run_scoped3A[%get3A_295, %get3A_296, %get3A_297] {strides = array<i32>} : memref<3x328x128xf32, #tpu.memory_space<vmem>>, vector<16xf32>,
            %max3A_299 = arith.maximumf %while3A_271, %get3A_298 : vector<16xf32>
            %get3A_300 = arith.index_cast %select_n3A_77 : i32 to index
            %get3A_301 = arith.index_cast %while3A_266 : i32 to index
            %get3A_302 = arith.constant 80 : index
            %get3A_303 = tpu.vector_load %run_scoped3A[%get3A_300, %get3A_301, %get3A_302] {strides = array<i32>} : memref<3x328x128xf32, #tpu.memory_space<vmem>>, vector<16xf32>,
            %max3A_304 = arith.maximumf %while3A_272, %get3A_303 : vector<16xf32>
            %get3A_305 = arith.index_cast %select_n3A_77 : i32 to index
            %get3A_306 = arith.index_cast %while3A_266 : i32 to index
            %get3A_307 = arith.constant 96 : index
            %get3A_308 = tpu.vector_load %run_scoped3A[%get3A_305, %get3A_306, %get3A_307] {strides = array<i32>} : memref<3x328x128xf32, #tpu.memory_space<vmem>>, vector<16xf32>,
            %max3A_309 = arith.maximumf %while3A_273, %get3A_308 : vector<16xf32>
            %get3A_310 = arith.index_cast %select_n3A_77 : i32 to index
            %get3A_311 = arith.index_cast %while3A_266 : i32 to index
            %get3A_312 = arith.constant 112 : index
            %get3A_313 = tpu.vector_load %run_scoped3A[%get3A_310, %get3A_311, %get3A_312] {strides = array<i32>} : memref<3x328x128xf32, #tpu.memory_space<vmem>>, vector<16xf32>,
            %max3A_314 = arith.maximumf %while3A_274, %get3A_313 : vector<16xf32>
            scf.yield %max3A_279, %max3A_284, %max3A_289, %max3A_294, %max3A_299, %max3A_304, %max3A_309, %max3A_314 : vector<16xf32>, vector<16xf32>, vector<16xf32>, vector<16xf32>, vector<16xf32>, vector<16xf32>, vector<16xf32>, vector<16xf32>
          }
          %swap3A = arith.index_cast %while3A_204 : i32 to index
          %swap3A_232 = arith.constant 0 : index
          %swap3A_233 = tpu.vector_load %arg6[%swap3A, %swap3A_232] {strides = array<i32>} : memref<16x128xf32, #tpu.memory_space<vmem>>, vector<16xf32>,
          tpu.vector_store %arg6[%swap3A, %swap3A_232], %while3A_231#0 {strides = array<i32>} : memref<16x128xf32, #tpu.memory_space<vmem>>, vector<16xf32>,
          %swap3A_234 = arith.index_cast %while3A_204 : i32 to index
          %swap3A_235 = arith.constant 16 : index
          %swap3A_236 = tpu.vector_load %arg6[%swap3A_234, %swap3A_235] {strides = array<i32>} : memref<16x128xf32, #tpu.memory_space<vmem>>, vector<16xf32>,
          tpu.vector_store %arg6[%swap3A_234, %swap3A_235], %while3A_231#1 {strides = array<i32>} : memref<16x128xf32, #tpu.memory_space<vmem>>, vector<16xf32>,
          %swap3A_237 = arith.index_cast %while3A_204 : i32 to index
          %swap3A_238 = arith.constant 32 : index
          %swap3A_239 = tpu.vector_load %arg6[%swap3A_237, %swap3A_238] {strides = array<i32>} : memref<16x128xf32, #tpu.memory_space<vmem>>, vector<16xf32>,
          tpu.vector_store %arg6[%swap3A_237, %swap3A_238], %while3A_231#2 {strides = array<i32>} : memref<16x128xf32, #tpu.memory_space<vmem>>, vector<16xf32>,
          %swap3A_240 = arith.index_cast %while3A_204 : i32 to index
          %swap3A_241 = arith.constant 48 : index
          %swap3A_242 = tpu.vector_load %arg6[%swap3A_240, %swap3A_241] {strides = array<i32>} : memref<16x128xf32, #tpu.memory_space<vmem>>, vector<16xf32>,
          tpu.vector_store %arg6[%swap3A_240, %swap3A_241], %while3A_231#3 {strides = array<i32>} : memref<16x128xf32, #tpu.memory_space<vmem>>, vector<16xf32>,
          %swap3A_243 = arith.index_cast %while3A_204 : i32 to index
          %swap3A_244 = arith.constant 64 : index
          %swap3A_245 = tpu.vector_load %arg6[%swap3A_243, %swap3A_244] {strides = array<i32>} : memref<16x128xf32, #tpu.memory_space<vmem>>, vector<16xf32>,
          tpu.vector_store %arg6[%swap3A_243, %swap3A_244], %while3A_231#4 {strides = array<i32>} : memref<16x128xf32, #tpu.memory_space<vmem>>, vector<16xf32>,
          %swap3A_246 = arith.index_cast %while3A_204 : i32 to index
          %swap3A_247 = arith.constant 80 : index
          %swap3A_248 = tpu.vector_load %arg6[%swap3A_246, %swap3A_247] {strides = array<i32>} : memref<16x128xf32, #tpu.memory_space<vmem>>, vector<16xf32>,
          tpu.vector_store %arg6[%swap3A_246, %swap3A_247], %while3A_231#5 {strides = array<i32>} : memref<16x128xf32, #tpu.memory_space<vmem>>, vector<16xf32>,
          %swap3A_249 = arith.index_cast %while3A_204 : i32 to index
          %swap3A_250 = arith.constant 96 : index
          %swap3A_251 = tpu.vector_load %arg6[%swap3A_249, %swap3A_250] {strides = array<i32>} : memref<16x128xf32, #tpu.memory_space<vmem>>, vector<16xf32>,
          tpu.vector_store %arg6[%swap3A_249, %swap3A_250], %while3A_231#6 {strides = array<i32>} : memref<16x128xf32, #tpu.memory_space<vmem>>, vector<16xf32>,
          %swap3A_252 = arith.index_cast %while3A_204 : i32 to index
          %swap3A_253 = arith.constant 112 : index
          %swap3A_254 = tpu.vector_load %arg6[%swap3A_252, %swap3A_253] {strides = array<i32>} : memref<16x128xf32, #tpu.memory_space<vmem>>, vector<16xf32>,
          tpu.vector_store %arg6[%swap3A_252, %swap3A_253], %while3A_231#7 {strides = array<i32>} : memref<16x128xf32, #tpu.memory_space<vmem>>, vector<16xf32>,
          %slice3A_255 = vector.extract_strided_slice %get3A_214 {offsets = [1], sizes = [1], strides = [1]} : vector<16xi32> to vector<1xi32>
          %squeeze3A_256 = vector.extract %slice3A_255[0] : i32 from vector<1xi32>
          %le3A_257 = arith.cmpi sle, %squeeze3A_256, %min3A_110 : i32
          %select_n3A_258 = arith.select %le3A_257, %broadcast_in_dim3A_3, %while3A_231#0 : vector<16xf32>
          %select_n3A_259 = arith.select %le3A_257, %broadcast_in_dim3A_3, %while3A_231#1 : vector<16xf32>
          %select_n3A_260 = arith.select %le3A_257, %broadcast_in_dim3A_3, %while3A_231#2 : vector<16xf32>
          %select_n3A_261 = arith.select %le3A_257, %broadcast_in_dim3A_3, %while3A_231#3 : vector<16xf32>
          %select_n3A_262 = arith.select %le3A_257, %broadcast_in_dim3A_3, %while3A_231#4 : vector<16xf32>
          %select_n3A_263 = arith.select %le3A_257, %broadcast_in_dim3A_3, %while3A_231#5 : vector<16xf32>
          %select_n3A_264 = arith.select %le3A_257, %broadcast_in_dim3A_3, %while3A_231#6 : vector<16xf32>
          %select_n3A_265 = arith.select %le3A_257, %broadcast_in_dim3A_3, %while3A_231#7 : vector<16xf32>
          scf.yield %select_n3A_258, %select_n3A_259, %select_n3A_260, %select_n3A_261, %select_n3A_262, %select_n3A_263, %select_n3A_264, %select_n3A_265 : vector<16xf32>, vector<16xf32>, vector<16xf32>, vector<16xf32>, vector<16xf32>, vector<16xf32>, vector<16xf32>, vector<16xf32>
        }
        %while3A_196 = arith.constant 1 : i32
        %while3A_197:8 = scf.for %while3A_204 = %while3A_193 to %while3A_189 step %while3A_196 iter_args(%while3A_205 = %while3A_195#0, %while3A_206 = %while3A_195#1, %while3A_207 = %while3A_195#2, %while3A_208 = %while3A_195#3, %while3A_209 = %while3A_195#4, %while3A_210 = %while3A_195#5, %while3A_211 = %while3A_195#6, %while3A_212 = %while3A_195#7) -> (vector<16xf32>, vector<16xf32>, vector<16xf32>, vector<16xf32>, vector<16xf32>, vector<16xf32>, vector<16xf32>, vector<16xf32>)  : i32 {
          %get3A_213 = arith.index_cast %while3A_204 : i32 to index
          %get3A_214 = tpu.vector_load %arg5[%get3A_213] {strides = array<i32>} : memref<32xi32, #tpu.memory_space<vmem>>, vector<16xi32>,
          %slice3A_215 = vector.extract_strided_slice %get3A_214 {offsets = [0], sizes = [1], strides = [1]} : vector<16xi32> to vector<1xi32>
          %squeeze3A_216 = vector.extract %slice3A_215[0] : i32 from vector<1xi32>
          %max3A = arith.maxsi %squeeze3A_216, %add3A_80 : i32
          %sub3A_217 = arith.subi %max3A, %multiple_of3A : i32
          %slice3A_218 = vector.extract_strided_slice %get3A_214 {offsets = [1], sizes = [1], strides = [1]} : vector<16xi32> to vector<1xi32>
          %squeeze3A_219 = vector.extract %slice3A_218[0] : i32 from vector<1xi32>
          %min3A_220 = arith.minsi %squeeze3A_219, %min3A_110 : i32
          %sub3A_221 = arith.subi %min3A_220, %multiple_of3A : i32
          %while3A_222 = arith.subi %sub3A_221, %sub3A_217 : i32
          %while3A_223 = arith.addi %sub3A_217, %while3A_222 : i32
          %while3A_224 = arith.constant 1 : i32
          %while3A_225 = arith.divsi %while3A_222, %while3A_224 : i32
          %while3A_226 = arith.muli %while3A_225, %while3A_224 : i32
          %while3A_227 = arith.addi %sub3A_217, %while3A_226 : i32
          %while3A_228 = arith.constant 1 : i32
          %while3A_229:8 = scf.for %while3A_266 = %sub3A_217 to %while3A_227 step %while3A_228 iter_args(%while3A_267 = %while3A_205, %while3A_268 = %while3A_206, %while3A_269 = %while3A_207, %while3A_270 = %while3A_208, %while3A_271 = %while3A_209, %while3A_272 = %while3A_210, %while3A_273 = %while3A_211, %while3A_274 = %while3A_212) -> (vector<16xf32>, vector<16xf32>, vector<16xf32>, vector<16xf32>, vector<16xf32>, vector<16xf32>, vector<16xf32>, vector<16xf32>)  : i32 {
            %get3A_275 = arith.index_cast %select_n3A_77 : i32 to index
            %get3A_276 = arith.index_cast %while3A_266 : i32 to index
            %get3A_277 = arith.constant 0 : index
            %get3A_278 = tpu.vector_load %run_scoped3A[%get3A_275, %get3A_276, %get3A_277] {strides = array<i32>} : memref<3x328x128xf32, #tpu.memory_space<vmem>>, vector<16xf32>,
            %max3A_279 = arith.maximumf %while3A_267, %get3A_278 : vector<16xf32>
            %get3A_280 = arith.index_cast %select_n3A_77 : i32 to index
            %get3A_281 = arith.index_cast %while3A_266 : i32 to index
            %get3A_282 = arith.constant 16 : index
            %get3A_283 = tpu.vector_load %run_scoped3A[%get3A_280, %get3A_281, %get3A_282] {strides = array<i32>} : memref<3x328x128xf32, #tpu.memory_space<vmem>>, vector<16xf32>,
            %max3A_284 = arith.maximumf %while3A_268, %get3A_283 : vector<16xf32>
            %get3A_285 = arith.index_cast %select_n3A_77 : i32 to index
            %get3A_286 = arith.index_cast %while3A_266 : i32 to index
            %get3A_287 = arith.constant 32 : index
            %get3A_288 = tpu.vector_load %run_scoped3A[%get3A_285, %get3A_286, %get3A_287] {strides = array<i32>} : memref<3x328x128xf32, #tpu.memory_space<vmem>>, vector<16xf32>,
            %max3A_289 = arith.maximumf %while3A_269, %get3A_288 : vector<16xf32>
            %get3A_290 = arith.index_cast %select_n3A_77 : i32 to index
            %get3A_291 = arith.index_cast %while3A_266 : i32 to index
            %get3A_292 = arith.constant 48 : index
            %get3A_293 = tpu.vector_load %run_scoped3A[%get3A_290, %get3A_291, %get3A_292] {strides = array<i32>} : memref<3x328x128xf32, #tpu.memory_space<vmem>>, vector<16xf32>,
            %max3A_294 = arith.maximumf %while3A_270, %get3A_293 : vector<16xf32>
            %get3A_295 = arith.index_cast %select_n3A_77 : i32 to index
            %get3A_296 = arith.index_cast %while3A_266 : i32 to index
            %get3A_297 = arith.constant 64 : index
            %get3A_298 = tpu.vector_load %run_scoped3A[%get3A_295, %get3A_296, %get3A_297] {strides = array<i32>} : memref<3x328x128xf32, #tpu.memory_space<vmem>>, vector<16xf32>,
            %max3A_299 = arith.maximumf %while3A_271, %get3A_298 : vector<16xf32>
            %get3A_300 = arith.index_cast %select_n3A_77 : i32 to index
            %get3A_301 = arith.index_cast %while3A_266 : i32 to index
            %get3A_302 = arith.constant 80 : index
            %get3A_303 = tpu.vector_load %run_scoped3A[%get3A_300, %get3A_301, %get3A_302] {strides = array<i32>} : memref<3x328x128xf32, #tpu.memory_space<vmem>>, vector<16xf32>,
            %max3A_304 = arith.maximumf %while3A_272, %get3A_303 : vector<16xf32>
            %get3A_305 = arith.index_cast %select_n3A_77 : i32 to index
            %get3A_306 = arith.index_cast %while3A_266 : i32 to index
            %get3A_307 = arith.constant 96 : index
            %get3A_308 = tpu.vector_load %run_scoped3A[%get3A_305, %get3A_306, %get3A_307] {strides = array<i32>} : memref<3x328x128xf32, #tpu.memory_space<vmem>>, vector<16xf32>,
            %max3A_309 = arith.maximumf %while3A_273, %get3A_308 : vector<16xf32>
            %get3A_310 = arith.index_cast %select_n3A_77 : i32 to index
            %get3A_311 = arith.index_cast %while3A_266 : i32 to index
            %get3A_312 = arith.constant 112 : index
            %get3A_313 = tpu.vector_load %run_scoped3A[%get3A_310, %get3A_311, %get3A_312] {strides = array<i32>} : memref<3x328x128xf32, #tpu.memory_space<vmem>>, vector<16xf32>,
            %max3A_314 = arith.maximumf %while3A_274, %get3A_313 : vector<16xf32>
            scf.yield %max3A_279, %max3A_284, %max3A_289, %max3A_294, %max3A_299, %max3A_304, %max3A_309, %max3A_314 : vector<16xf32>, vector<16xf32>, vector<16xf32>, vector<16xf32>, vector<16xf32>, vector<16xf32>, vector<16xf32>, vector<16xf32>
          }
          %while3A_230 = arith.constant 1 : i32
          %while3A_231:8 = scf.for %while3A_266 = %while3A_227 to %while3A_223 step %while3A_230 iter_args(%while3A_267 = %while3A_229#0, %while3A_268 = %while3A_229#1, %while3A_269 = %while3A_229#2, %while3A_270 = %while3A_229#3, %while3A_271 = %while3A_229#4, %while3A_272 = %while3A_229#5, %while3A_273 = %while3A_229#6, %while3A_274 = %while3A_229#7) -> (vector<16xf32>, vector<16xf32>, vector<16xf32>, vector<16xf32>, vector<16xf32>, vector<16xf32>, vector<16xf32>, vector<16xf32>)  : i32 {
            %get3A_275 = arith.index_cast %select_n3A_77 : i32 to index
            %get3A_276 = arith.index_cast %while3A_266 : i32 to index
            %get3A_277 = arith.constant 0 : index
            %get3A_278 = tpu.vector_load %run_scoped3A[%get3A_275, %get3A_276, %get3A_277] {strides = array<i32>} : memref<3x328x128xf32, #tpu.memory_space<vmem>>, vector<16xf32>,
            %max3A_279 = arith.maximumf %while3A_267, %get3A_278 : vector<16xf32>
            %get3A_280 = arith.index_cast %select_n3A_77 : i32 to index
            %get3A_281 = arith.index_cast %while3A_266 : i32 to index
            %get3A_282 = arith.constant 16 : index
            %get3A_283 = tpu.vector_load %run_scoped3A[%get3A_280, %get3A_281, %get3A_282] {strides = array<i32>} : memref<3x328x128xf32, #tpu.memory_space<vmem>>, vector<16xf32>,
            %max3A_284 = arith.maximumf %while3A_268, %get3A_283 : vector<16xf32>
            %get3A_285 = arith.index_cast %select_n3A_77 : i32 to index
            %get3A_286 = arith.index_cast %while3A_266 : i32 to index
            %get3A_287 = arith.constant 32 : index
            %get3A_288 = tpu.vector_load %run_scoped3A[%get3A_285, %get3A_286, %get3A_287] {strides = array<i32>} : memref<3x328x128xf32, #tpu.memory_space<vmem>>, vector<16xf32>,
            %max3A_289 = arith.maximumf %while3A_269, %get3A_288 : vector<16xf32>
            %get3A_290 = arith.index_cast %select_n3A_77 : i32 to index
            %get3A_291 = arith.index_cast %while3A_266 : i32 to index
            %get3A_292 = arith.constant 48 : index
            %get3A_293 = tpu.vector_load %run_scoped3A[%get3A_290, %get3A_291, %get3A_292] {strides = array<i32>} : memref<3x328x128xf32, #tpu.memory_space<vmem>>, vector<16xf32>,
            %max3A_294 = arith.maximumf %while3A_270, %get3A_293 : vector<16xf32>
            %get3A_295 = arith.index_cast %select_n3A_77 : i32 to index
            %get3A_296 = arith.index_cast %while3A_266 : i32 to index
            %get3A_297 = arith.constant 64 : index
            %get3A_298 = tpu.vector_load %run_scoped3A[%get3A_295, %get3A_296, %get3A_297] {strides = array<i32>} : memref<3x328x128xf32, #tpu.memory_space<vmem>>, vector<16xf32>,
            %max3A_299 = arith.maximumf %while3A_271, %get3A_298 : vector<16xf32>
            %get3A_300 = arith.index_cast %select_n3A_77 : i32 to index
            %get3A_301 = arith.index_cast %while3A_266 : i32 to index
            %get3A_302 = arith.constant 80 : index
            %get3A_303 = tpu.vector_load %run_scoped3A[%get3A_300, %get3A_301, %get3A_302] {strides = array<i32>} : memref<3x328x128xf32, #tpu.memory_space<vmem>>, vector<16xf32>,
            %max3A_304 = arith.maximumf %while3A_272, %get3A_303 : vector<16xf32>
            %get3A_305 = arith.index_cast %select_n3A_77 : i32 to index
            %get3A_306 = arith.index_cast %while3A_266 : i32 to index
            %get3A_307 = arith.constant 96 : index
            %get3A_308 = tpu.vector_load %run_scoped3A[%get3A_305, %get3A_306, %get3A_307] {strides = array<i32>} : memref<3x328x128xf32, #tpu.memory_space<vmem>>, vector<16xf32>,
            %max3A_309 = arith.maximumf %while3A_273, %get3A_308 : vector<16xf32>
            %get3A_310 = arith.index_cast %select_n3A_77 : i32 to index
            %get3A_311 = arith.index_cast %while3A_266 : i32 to index
            %get3A_312 = arith.constant 112 : index
            %get3A_313 = tpu.vector_load %run_scoped3A[%get3A_310, %get3A_311, %get3A_312] {strides = array<i32>} : memref<3x328x128xf32, #tpu.memory_space<vmem>>, vector<16xf32>,
            %max3A_314 = arith.maximumf %while3A_274, %get3A_313 : vector<16xf32>
            scf.yield %max3A_279, %max3A_284, %max3A_289, %max3A_294, %max3A_299, %max3A_304, %max3A_309, %max3A_314 : vector<16xf32>, vector<16xf32>, vector<16xf32>, vector<16xf32>, vector<16xf32>, vector<16xf32>, vector<16xf32>, vector<16xf32>
          }
          %swap3A = arith.index_cast %while3A_204 : i32 to index
          %swap3A_232 = arith.constant 0 : index
          %swap3A_233 = tpu.vector_load %arg6[%swap3A, %swap3A_232] {strides = array<i32>} : memref<16x128xf32, #tpu.memory_space<vmem>>, vector<16xf32>,
          tpu.vector_store %arg6[%swap3A, %swap3A_232], %while3A_231#0 {strides = array<i32>} : memref<16x128xf32, #tpu.memory_space<vmem>>, vector<16xf32>,
          %swap3A_234 = arith.index_cast %while3A_204 : i32 to index
          %swap3A_235 = arith.constant 16 : index
          %swap3A_236 = tpu.vector_load %arg6[%swap3A_234, %swap3A_235] {strides = array<i32>} : memref<16x128xf32, #tpu.memory_space<vmem>>, vector<16xf32>,
          tpu.vector_store %arg6[%swap3A_234, %swap3A_235], %while3A_231#1 {strides = array<i32>} : memref<16x128xf32, #tpu.memory_space<vmem>>, vector<16xf32>,
          %swap3A_237 = arith.index_cast %while3A_204 : i32 to index
          %swap3A_238 = arith.constant 32 : index
          %swap3A_239 = tpu.vector_load %arg6[%swap3A_237, %swap3A_238] {strides = array<i32>} : memref<16x128xf32, #tpu.memory_space<vmem>>, vector<16xf32>,
          tpu.vector_store %arg6[%swap3A_237, %swap3A_238], %while3A_231#2 {strides = array<i32>} : memref<16x128xf32, #tpu.memory_space<vmem>>, vector<16xf32>,
          %swap3A_240 = arith.index_cast %while3A_204 : i32 to index
          %swap3A_241 = arith.constant 48 : index
          %swap3A_242 = tpu.vector_load %arg6[%swap3A_240, %swap3A_241] {strides = array<i32>} : memref<16x128xf32, #tpu.memory_space<vmem>>, vector<16xf32>,
          tpu.vector_store %arg6[%swap3A_240, %swap3A_241], %while3A_231#3 {strides = array<i32>} : memref<16x128xf32, #tpu.memory_space<vmem>>, vector<16xf32>,
          %swap3A_243 = arith.index_cast %while3A_204 : i32 to index
          %swap3A_244 = arith.constant 64 : index
          %swap3A_245 = tpu.vector_load %arg6[%swap3A_243, %swap3A_244] {strides = array<i32>} : memref<16x128xf32, #tpu.memory_space<vmem>>, vector<16xf32>,
          tpu.vector_store %arg6[%swap3A_243, %swap3A_244], %while3A_231#4 {strides = array<i32>} : memref<16x128xf32, #tpu.memory_space<vmem>>, vector<16xf32>,
          %swap3A_246 = arith.index_cast %while3A_204 : i32 to index
          %swap3A_247 = arith.constant 80 : index
          %swap3A_248 = tpu.vector_load %arg6[%swap3A_246, %swap3A_247] {strides = array<i32>} : memref<16x128xf32, #tpu.memory_space<vmem>>, vector<16xf32>,
          tpu.vector_store %arg6[%swap3A_246, %swap3A_247], %while3A_231#5 {strides = array<i32>} : memref<16x128xf32, #tpu.memory_space<vmem>>, vector<16xf32>,
          %swap3A_249 = arith.index_cast %while3A_204 : i32 to index
          %swap3A_250 = arith.constant 96 : index
          %swap3A_251 = tpu.vector_load %arg6[%swap3A_249, %swap3A_250] {strides = array<i32>} : memref<16x128xf32, #tpu.memory_space<vmem>>, vector<16xf32>,
          tpu.vector_store %arg6[%swap3A_249, %swap3A_250], %while3A_231#6 {strides = array<i32>} : memref<16x128xf32, #tpu.memory_space<vmem>>, vector<16xf32>,
          %swap3A_252 = arith.index_cast %while3A_204 : i32 to index
          %swap3A_253 = arith.constant 112 : index
          %swap3A_254 = tpu.vector_load %arg6[%swap3A_252, %swap3A_253] {strides = array<i32>} : memref<16x128xf32, #tpu.memory_space<vmem>>, vector<16xf32>,
          tpu.vector_store %arg6[%swap3A_252, %swap3A_253], %while3A_231#7 {strides = array<i32>} : memref<16x128xf32, #tpu.memory_space<vmem>>, vector<16xf32>,
          %slice3A_255 = vector.extract_strided_slice %get3A_214 {offsets = [1], sizes = [1], strides = [1]} : vector<16xi32> to vector<1xi32>
          %squeeze3A_256 = vector.extract %slice3A_255[0] : i32 from vector<1xi32>
          %le3A_257 = arith.cmpi sle, %squeeze3A_256, %min3A_110 : i32
          %select_n3A_258 = arith.select %le3A_257, %broadcast_in_dim3A_3, %while3A_231#0 : vector<16xf32>
          %select_n3A_259 = arith.select %le3A_257, %broadcast_in_dim3A_3, %while3A_231#1 : vector<16xf32>
          %select_n3A_260 = arith.select %le3A_257, %broadcast_in_dim3A_3, %while3A_231#2 : vector<16xf32>
          %select_n3A_261 = arith.select %le3A_257, %broadcast_in_dim3A_3, %while3A_231#3 : vector<16xf32>
          %select_n3A_262 = arith.select %le3A_257, %broadcast_in_dim3A_3, %while3A_231#4 : vector<16xf32>
          %select_n3A_263 = arith.select %le3A_257, %broadcast_in_dim3A_3, %while3A_231#5 : vector<16xf32>
          %select_n3A_264 = arith.select %le3A_257, %broadcast_in_dim3A_3, %while3A_231#6 : vector<16xf32>
          %select_n3A_265 = arith.select %le3A_257, %broadcast_in_dim3A_3, %while3A_231#7 : vector<16xf32>
          scf.yield %select_n3A_258, %select_n3A_259, %select_n3A_260, %select_n3A_261, %select_n3A_262, %select_n3A_263, %select_n3A_264, %select_n3A_265 : vector<16xf32>, vector<16xf32>, vector<16xf32>, vector<16xf32>, vector<16xf32>, vector<16xf32>, vector<16xf32>, vector<16xf32>
        }
        %get3A_198 = arith.index_cast %sub3A_185 : i32 to index
        %get3A_199 = tpu.vector_load %arg5[%get3A_198] {strides = array<i32>} : memref<32xi32, #tpu.memory_space<vmem>>, vector<16xi32>,
        %slice3A_200 = vector.extract_strided_slice %get3A_199 {offsets = [1], sizes = [1], strides = [1]} : vector<16xi32> to vector<1xi32>
        %squeeze3A_201 = vector.extract %slice3A_200[0] : i32 from vector<1xi32>
        %le3A = arith.cmpi sle, %squeeze3A_201, %min3A_110 : i32
        %convert_element_type3A_202 = arith.extui %le3A : i1 to i32
        %add3A_203 = arith.addi %sub3A_185, %convert_element_type3A_202 : i32
        scf.yield %add3A_203, %while3A_197#0, %while3A_197#1, %while3A_197#2, %while3A_197#3, %while3A_197#4, %while3A_197#5, %while3A_197#6, %while3A_197#7 : i32, vector<16xf32>, vector<16xf32>, vector<16xf32>, vector<16xf32>, vector<16xf32>, vector<16xf32>, vector<16xf32>, vector<16xf32>
      }
      "tpu.region"() ({
        %run_scoped3A_54 = tpu.sem_alloc : memref<!tpu.dma_semaphore, #tpu.memory_space<semaphore_mem>>
        %dma_start3A = arith.constant 0 : i32
        %dma_start3A_55 = tpu.memref_slice %arg4[%mul3A_2, %dma_start3A] : memref<512x128xf32, #tpu.memory_space<hbm>> -> memref<16x128xf32, #tpu.memory_space<hbm>>
        %dma_start3A_56 = arith.constant 0 : i32
        %dma_start3A_57 = tpu.memref_slice %arg4[%mul3A_2, %dma_start3A_56] : memref<512x128xf32, #tpu.memory_space<hbm>> -> memref<16x128xf32, #tpu.memory_space<hbm>>
        tpu.enqueue_dma source(%arg6 : memref<16x128xf32, #tpu.memory_space<vmem>>) target(%dma_start3A_57 : memref<16x128xf32, #tpu.memory_space<hbm>>) target_semaphore(%run_scoped3A_54 : memref<!tpu.dma_semaphore, #tpu.memory_space<semaphore_mem>>)
        %dma_wait3A = arith.constant 0 : i32
        %dma_wait3A_58 = tpu.memref_slice %arg4[%mul3A_2, %dma_wait3A] : memref<512x128xf32, #tpu.memory_space<hbm>> -> memref<16x128xf32, #tpu.memory_space<hbm>>
        %dma_wait3A_59 = arith.constant 0 : i32
        %dma_wait3A_60 = tpu.memref_slice %arg4[%mul3A_2, %dma_wait3A_59] : memref<512x128xf32, #tpu.memory_space<hbm>> -> memref<16x128xf32, #tpu.memory_space<hbm>>
        tpu.wait_dma2 semaphore(%run_scoped3A_54 : memref<!tpu.dma_semaphore, #tpu.memory_space<semaphore_mem>>) src(%arg6 : memref<16x128xf32, #tpu.memory_space<vmem>>) dst(%dma_wait3A_60 : memref<16x128xf32, #tpu.memory_space<hbm>>)
        tpu.yield
      }) : () -> ()
      tpu.yield
    }) : () -> ()
    return
  }
}

</mosaic_0001>

<sc_bundles>
// kernel: kernel.3.cloned.1.call-start
scs
__scs_entry_jumppad:
0x0: {  	(pc) =	sbr.rel $0x88, $3  }
0x1: {  	(tag) =	ssettag $0x0;
	lr =	simm.s32 $0x1  }
0x2: {  	[smem:$0x3F9F] =	sst lr;
	_ =	strace $0xD0000000  }
0x3: {  	_ = 	snop  }
0x4: {  	_ = 	snop  }
0x5: {  	_ = 	snop  }
0x6: {  	_ = 	snop  }
0x7: {  	_ = 	snop  }
__scs_overlays_trampoline_lowered:
0x8: {  	[smem:$0x3FAE] =	sst s0  }
0x9: {  	[smem:$0x3FAF] =	sst s1  }
0xa: {  	[smem:$0x3FB0] =	sst s2  }
0xb: {  	[smem:$0x3FB1] =	sst s3  }
0xc: {  	[smem:$0x3FB2] =	sst s4  }
0xd: {  	[smem:$0x3FB3] =	sst s5  }
0xe: {  	[smem:$0x3FB4] =	sst s6  }
0xf: {  	[smem:$0x3FB5] =	sst s7  }
0x10: {  	[smem:$0x3FB6] =	sst s8  }
0x11: {  	[smem:$0x3FB7] =	sst s9;
	s0 =	simm.s32 @!p0 $0x0  }
0x12: {  	s1 =	sld [smem:$0x3F9D];
	s0 =	simm.s32 @p0 $0x1  }
0x13: {  	[smem:$0x3FB8] =	sst s0;
	s0 =	simm.s32 @!p1 $0x0  }
0x14: {  	s2 =	sld [smem:$0x3F9C];
	s0 =	simm.s32 @p1 $0x1  }
0x15: {  	[smem:$0x3FB9] =	sst s0;
	s0 =	simm.s32 @!p2 $0x0  }
0x16: {  	s3 =	sld [smem:$0x3FDB];
	s0 =	simm.s32 @p2 $0x1  }
0x17: {  	s4 =	simm.s32 $0x1BF5;
	[smem:$0x3FBB] =	sst s0  }
0x18: {  	s0 =	sld [smem:$0x3F9E];
	_ =	swait.ge [sflag:s4], $0x0  }
0x19: {  	s7 =	sld [smem:$0x3F9F]  }
0x1a: {  	s8 =	sadd.s32 $0xFFFFE003, lr  }
0x1b: {  	s9 =	sadd.s32 $0xFFFFFEF7, lr;
	s5 =	simm.s32 $0xFFFFFFFF;
	p2 =	slt.u32 s8, $0xFFFFF086  }
0x1c: {  	p1 =	slt.u32 s9, $0xF7A;
	s5 =	simm.s32 @!p2 $0x0  }
0x1d: {  	s5 =	simm.s32 @p1 $0x1;
	p0 =	seq.s32 s7, s2  }
0x1e: {  	s7 =	smul.u32 @!p0 $0xF7A, s2;
	p2 =	seq.s32 @!p0 s5, $0x0  }
0x1f: {  	s9 =	smul.u32 $0xF7A, s1;
	s8 =	simm.s32 @!p0 $0x1BF5;
	p2 =	por !p2, p0  }
0x20: {  	[sflag:s8] =	ssyncset.s32 @!p0 $0xFFFFF086;
	s6 =	sadd.s32 @!p0 s3, s7;
	s7 =	simm.s32 @!p0 $0x108  }
0x21: {  	s3 =	sadd.s32 s3, s9;
	s6 =	sadd.s32 @!p0 $0x88, s6;
	s7 =	simm.s32 @p2 $0x1082  }
0x22: {  	[simem:s7], [sflag:s8] =	dma.local @!p0 [hbm:s6], $0xF7A  }
0x23: {  	s9 =	sor.u32 $0xD0000000, s2;
	s6 =	simm.s32 $0x108;
	_ =	swait.ge @!p0 [sflag:s8], $0x0  }
0x24: {  	s3 =	sadd.s32 $0x88, s3;
	s6 =	simm.s32 @!p1 $0x1082;
	[sflag:s4] =	ssyncset.s32 $0xFFFFF086  }
0x25: {  	[simem:s6], [sflag:s4] =	dma.local [hbm:s3], $0xF7A  }
0x26: {  	[smem:$0x3F9F] =	sst s1;
	(tag) =	ssettag s2;
	_ =	strace s9  }
0x27: {  	s1 =	sld [smem:$0x3FAF]  }
0x28: {  	s2 =	sld [smem:$0x3FB0]  }
0x29: {  	s4 =	sld [smem:$0x3FB2]  }
0x2a: {  	p0 =	seq.s32 s5, $0x0;
	s5 =	sld [smem:$0x3FB3]  }
0x2b: {  	s6 =	sld [smem:$0x3FB4]  }
0x2c: {  	s7 =	sld [smem:$0x3FB5]  }
0x2d: {  	s3 =	simm.s32 $0x108;
	s8 =	sld [smem:$0x3FB6]  }
0x2e: {  	s3 =	simm.s32 @!p0 $0x1082;
	s9 =	sld [smem:$0x3FB7]  }
0x2f: {  	lr =	sadd.s32 s0, s3;
	s0 =	sld [smem:$0x3FAE]  }
0x30: {  	s3 =	sld [smem:$0x3FB1]  }
0x31: {  	[smem:$0x3FBA] =	sst s10  }
0x32: {  	s10 =	sld [smem:$0x3FB8];
	_ =	sdelay $0x3  }
0x33: {  	p0 =	seq.s32 s10, $0x1;
	s10 =	sld [smem:$0x3FBA];
	_ =	sdelay $0x3  }
0x34: {  	[smem:$0x3FBA] =	sst s10  }
0x35: {  	s10 =	sld [smem:$0x3FB9];
	_ =	sdelay $0x3  }
0x36: {  	p1 =	seq.s32 s10, $0x1;
	s10 =	sld [smem:$0x3FBA];
	_ =	sdelay $0x3  }
0x37: {  	[smem:$0x3FBA] =	sst s10  }
0x38: {  	s10 =	sld [smem:$0x3FBB]  }
0x39: {  	_ = 	snop;
	(pc) =	sbr.ind lr, $3  }
0x3a: {  	_ = 	snop  }
0x3b: {  	_ = 	snop  }
0x3c: {  	p2 =	seq.s32 s10, $0x1;
	s10 =	sld [smem:$0x3FBA]  }
0x3d: {  	_ =	shalt  }
0x3e: {  	_ =	shalt  }
0x3f: {  	_ =	shalt  }
0x40: {  	_ =	shalt  }
0x41: {  	_ =	shalt  }
0x42: {  	_ =	shalt  }
0x43: {  	_ =	shalt  }
0x44: {  	_ =	shalt  }
0x45: {  	_ =	shalt  }
0x46: {  	_ =	shalt  }
0x47: {  	_ =	shalt  }
0x48: {  	_ =	shalt  }
0x49: {  	_ =	shalt  }
0x4a: {  	_ =	shalt  }
0x4b: {  	_ =	shalt  }
0x4c: {  	_ =	shalt  }
0x4d: {  	_ =	shalt  }
0x4e: {  	_ =	shalt  }
0x4f: {  	_ =	shalt  }
0x50: {  	_ =	shalt  }
0x51: {  	_ =	shalt  }
0x52: {  	_ =	shalt  }
0x53: {  	_ =	shalt  }
0x54: {  	_ =	shalt  }
0x55: {  	_ =	shalt  }
0x56: {  	_ =	shalt  }
0x57: {  	_ =	shalt  }
0x58: {  	_ =	shalt  }
0x59: {  	_ =	shalt  }
0x5a: {  	_ =	shalt  }
0x5b: {  	_ =	shalt  }
0x5c: {  	_ =	shalt  }
0x5d: {  	_ =	shalt  }
0x5e: {  	_ =	shalt  }
0x5f: {  	_ =	shalt  }
0x60: {  	_ =	shalt  }
0x61: {  	_ =	shalt  }
0x62: {  	_ =	shalt  }
0x63: {  	_ =	shalt  }
0x64: {  	_ =	shalt  }
0x65: {  	_ =	shalt  }
0x66: {  	_ =	shalt  }
0x67: {  	_ =	shalt  }
0x68: {  	_ =	shalt  }
0x69: {  	_ =	shalt  }
0x6a: {  	_ =	shalt  }
0x6b: {  	_ =	shalt  }
0x6c: {  	_ =	shalt  }
0x6d: {  	_ =	shalt  }
0x6e: {  	_ =	shalt  }
0x6f: {  	_ =	shalt  }
0x70: {  	_ =	shalt  }
0x71: {  	_ =	shalt  }
0x72: {  	_ =	shalt  }
0x73: {  	_ =	shalt  }
0x74: {  	_ =	shalt  }
0x75: {  	_ =	shalt  }
0x76: {  	_ =	shalt  }
0x77: {  	_ =	shalt  }
0x78: {  	_ =	shalt  }
0x79: {  	_ =	shalt  }
0x7a: {  	_ =	shalt  }
0x7b: {  	_ =	shalt  }
0x7c: {  	_ =	shalt  }
0x7d: {  	_ =	shalt  }
0x7e: {  	_ =	shalt  }
0x7f: {  	_ =	shalt  }
0x80: {  	_ =	shalt  }
0x81: {  	_ =	shalt  }
0x82: {  	_ =	shalt  }
0x83: {  	_ =	shalt  }
0x84: {  	_ =	shalt  }
0x85: {  	_ =	shalt  }
0x86: {  	_ =	shalt  }
0x87: {  	_ =	shalt  }
.Lfunc_end0:
.L_simem_size_0:
called_computation_lowered:
.L_overlay_start_0:
0x88: {  	s2 =	sld [smem:$0x3FD9]  }
0x89: {  	s3 =	sld [smem:$0x3FFE];
	_ =	sdelay $0x1  }
0x8a: {  	s1 =	srdreg.scid  }
0x8b: {  	s0 =	sand.u32 $0x1, s1  }
0x8c: {  	s18 =	sshll.u32 s0, $0xA;
	s2 =	sadd.s32 s3, s2  }
0x8d: {  	s2 =	sadd.s32 s2, s18  }
0x8e: {  	[smem:$0x3FC6] =	sst s2  }
0x8f: {  	_ = 	snop  }
0x90: {  	s2 =	sld [smem:$0x3FC9]  }
0x91: {  	s19 =	sld [smem:$0x3FC8]  }
0x92: {  	s4 =	sld [smem:$0x3FD0];
	(tm) =	ssettm $0x1  }
0x93: {  	s5 =	sld [smem:$0x3FFB];
	_ =	sdelay $0x3  }
0x94: {  	_ =	strace s5  }
0x95: {  	s5 =	sld [smem:$0x3FFC];
	_ =	sdelay $0x3  }
0x96: {  	_ =	strace s5  }
0x97: {  	s5 =	sld [smem:$0x3FFD];
	_ =	sdelay $0x3  }
0x98: {  	_ =	strace s5  }
0x99: {  	_ =	strace $0x8FFFFFFF  }
0x9a: {  	s20 =	sld [smem:$0x3FDB];
	_ =	sdelay $0x1  }
0x9b: {  	s6 =	simm.s32 $_scs_section_size  }
0x9c: {  	s7 =	simm.s32 $_size__tile_overlayer_lowered;
	s8 =	simm.s32 $_tile_overlayer_lowered  }
0x9d: {  	s23 =	simm.s32 $0x1BFF;
	s22 =	sshll.u32 s8, $0x1;
	s5 =	sadd.s32 s6, s20  }
0x9e: {  	s9 =	simm.s32 $0x0;
	s21 =	sshll.u32 s7, $0x1;
	s7 =	sadd.s32 s22, s5  }
0x9f: {  	[timem:s9], [sflag:s23] =	dma.local [hbm:s7], s21  }
0xa0: {  	_ =	swait.ge [sflag:s23], s21  }
0xa1: {  	s6 =	ssub.s32 $0x0, s21;
	[sflag:s23] =	ssyncset.done $0x0  }
0xa2: {  	[sflag:s23] =	ssyncadd.s32 s6;
	_ =	sdelay $0x1  }
0xa3: {  	s24 =	simm.s32 $0x1B8B  }
0xa4: {  	_ =	swait.ge [sflag:s24], $0x1  }
0xa5: {  	[sflag:s24] =	ssyncset.done $0x0  }
0xa6: {  	s25 =	simm.s32 $0x1B8E;
	[sflag:s24] =	ssyncadd.s32 $0xFFFFFFFF  }
0xa7: {  	s26 =	simm.s32 $execute0_lowered;
	[smem:$0x3FD2] =	sst s25  }
0xa8: {  	s6 =	sshll.u32 s26, $0x1;
	_ =	strace $0x80000046;
	[dreg:$0x1] =	wrdreg $0xFFFFFFFF  }
0xa9: {  	s28 =	simm.s32 $_size_execute0_lowered;
	s5 =	sadd.s32 s5, s6;
	[dreg:$0x0] =	wrdreg $0x0  }
0xaa: {  	s6 =	sshll.u32 s28, $0x1;
	[dreg:$0x2] =	wrdreg s5  }
0xab: {  	[dreg:$0x3] =	wrdreg s6  }
0xac: {  	[dreg:$0x4] =	wrdreg $0xC0  }
0xad: {  	_ =	task [dreg:s9], $0x5FFFF  }
0xae: {  	[dreg:$0x1] =	wrdreg $0xFFFFFFFF  }
0xaf: {  	[dreg:$0x0] =	wrdreg $0x60  }
0xb0: {  	[dreg:$0x2] =	wrdreg s2  }
0xb1: {  	[dreg:$0x3] =	wrdreg s19  }
0xb2: {  	[dreg:$0x4] =	wrdreg s4  }
0xb3: {  	[dreg:$0x5] =	wrdreg $0x9  }
0xb4: {  	_ =	task.clear_ibuf [dreg:s9], $0x6FFFF;
	_ =	strace $0x90000046  }
0xb5: {  	s29 =	simm.s32 $0x9;
	_ =	strace $0x80000048  }
0xb6: {  	_ =	swait.ge [sflag:s29], $0x1  }
0xb7: {  	[sflag:s29] =	ssyncadd.s32 $0xFFFFFFFF  }
0xb8: {  	_ =	strace $0x90000048  }
0xb9: {  	_ =	sfence  }
0xba: {  	s30 =	sld [smem:$0x0];
	_ =	sdelay $0x2  }
0xbb: {  	s31 =	sshll.u32 s1, $0xD;
	s1 =	sshrl.u32 s1, $0x2  }
0xbc: {  	s3 =	sand.u32 $0x4000, s31;
	s1 =	sadd.s32 s1, s30  }
0xbd: {  	s0 =	sor.u32 s3, s0;
	s1 =	sshll.u32 s1, $0x11  }
0xbe: {  	s0 =	sor.u32 s1, s0  }
0xbf: {  	s0 =	sadd.s32 $0x8F2B, s0  }
0xc0: {  	[sflag:s0] =	ssyncadd.remote.s32 $0x1  }
0xc1: {  	_ =	sfence.sel $0xFFFF  }
0xc2: {  	[dreg:$0x0] =	wrdreg $0xFFFFFFFF;
	(pc) =	sbr.abs _section_cstart, $3  }
0xc3: {  	[dreg:$0x1] =	wrdreg $0xFFFFFFFF  }
0xc4: {  	_ =	task.clear_ibuf [dreg:s9], $0x2FFFF;
	_ =	strace $0x9FFFFFFF  }
0xc5: {  	(tm) =	ssettm $0x7FFFFFFF  }
tec
execute0_lowered:
.L_overlay_start_1:
0x0: {  	(tag) =	ssettag $0x1  }
0x1: {  	v0 =	vimm.s32 $0x17700;
	vm0 =	vcmask $0x300  }
0x2: {  	vm15 =	vcmask $0x704;
	v0 =	vsel vm0, $0x1900, v0  }
0x3: {  	vm4 =	vcmask $0xB08;
	v0 =	vsel vm15, $0x3200, v0  }
0x4: {  	vm5 =	vcmask $0xF0C;
	v0 =	vsel vm4, $0x4B00, v0  }
0x5: {  	vm6 =	vcmask $0x1310;
	v0 =	vsel vm5, $0x6400, v0  }
0x6: {  	s0 =	rddreg [dreg:$0x0];
	s3 =	srdreg.scid;
	vm7 =	vcmask $0x1714;
	v0 =	vsel vm6, $0x7D00, v0  }
0x7: {  	s2 =	rddreg [dreg:$0x1];
	s1 =	stileid.u32;
	vm8 =	vcmask $0x1B18;
	v0 =	vsel vm7, $0x9600, v0  }
0x8: {  	s5 =	rddreg [dreg:$0x2];
	vm9 =	vcmask $0x1F1C;
	s10 =	simm.s32 $0x1;
	s11 =	simm.s32 $0x980;
	v0 =	vsel vm8, $0xAF00, v0  }
0x9: {  	vm10 =	vcmask $0x2320;
	s12 =	simm.s32 $0x80;
	s13 =	simm.s32 $0x5;
	s3 =	sand.u32 $0x1, s3;
	v1 =	vsel vm9, $0xC800, v0  }
0xa: {  	vm11 =	vcmask $0x2724;
	vm12 =	vcmask $0x2B28;
	s14 =	simm.s32 $0x0;
	s4 =	sshll.u32 s1, $0x5;
	s6 =	sshll.u32 s3, $0x4;
	v2 =	vsel vm10, $0xE100, v1  }
.Ltmp0:
0xb: {  	vm13 =	vcmask $0x2F2C;
	vm14 =	vcmask $0x3330;
	s3 =	ssub.s32 $0x2, s3;
	s6 =	sor.u32 s6, s4;
	v3 =	vsel vm11, $0xFA00, v2;
	(pc) =	sbr.rel .LBB2_1-.Ltmp0, $4  }
0xc: {  	v6 =	vimm.s32 $0x0;
	v7 =	vimm.f32 $-Inf;
	s4 =	simm.s32 $0x0;
	s7 =	sshrl.u32 s3, $0x1;
	s9 =	sadd.s32 $0x10, s6;
	v4 =	vsel vm12, $0x11300, v3  }
0xd: {  	vm15 =	vcmask $0x3734;
	[smem:$0x7FF] =	sst s4;
	s8 =	sshll.u32 s6, $0x4;
	s3 =	ssub.s32 s3, s7;
	v0 =	vmov s6;
	v5 =	vsel vm13, $0x12C00, v4  }
0xe: {  	s7 =	simm.s32 $0x10;
	_ =	strace $0x80000047;
	s5 =	sadd.s32 s5, s8;
	v1 =	vmov s9;
	v2 =	vlaneseq.u32;
	v5 =	vsel vm14, $0x14500, v5  }
0xf: {  	s8 =	simm.s32 $0x880;
	v3 =	vor.u32 s6, v2;
	s6 =	smax.u32 s3, $0x1;
	v4 =	vor.u32 s9, v2;
	s9 =	simm.s32 $0x900;
	v5 =	vsel vm15, $0x15E00, v5  }
.LBB2_25:
0x10: {  	s14 =	sadd.s32 $0x1, s14  }
0x11: {  	p0 =	sne.s32 s14, s6  }
.Ltmp1:
0x12: {  	_ = 	snop;
	(pc) =	sbr.rel @!p0 .LBB2_26-.Ltmp1, $4  }
0x13: {  	[hbm4b:s5+s4] =	stream.linear.scatter [tilespmem:s12], [sflag:$0x5], $0x800, $0x38;
	[tilespmem:$0x1F580] =	vst v63  }
0x14: {  	_ =	swait.ge [sflag:s13], $0x800  }
0x15: {  	[sflag:s13] =	ssyncset.done $0x0  }
0x16: {  	[sflag:s13] =	ssyncadd.s32 $0xFFFFF800  }
.LBB2_1:
0x17: {  	[tilespmem:$0x880] =	vst v5  }
0x18: {  	[tilespmem:s9], [sflag:$0x1] =	stream.indirect.gather [hbm4b:s2+s7], $0x1, s8, s7, $0xb8;
	[tilespmem:$0x1F580] =	vst v63  }
0x19: {  	_ =	swait.ge [sflag:s10], $0x10  }
0x1a: {  	[sflag:s10] =	ssyncset.done $0x0  }
0x1b: {  	[sflag:s10] =	ssyncadd.s32 $0xFFFFFFF0  }
0x1c: {  	v8 =	vld [tilespmem:$0x900];
	_ =	sdelay $0x3  }
0x1d: {  	vm0 =	veq.s32 v2, $0xF  }
0x1e: {  	v8 =	vsel vm0, $0x40000000, v8  }
0x1f: {  	vm0 =	vlt.s32 v8, v0  }
0x20: {  	vm15 =	vlt.s32 v8, v1;
	v9 =	vmpcnt.ones.xlane vm0  }
0x21: {  	v8 =	vmpcnt.ones.xlane vm15  }
0x22: {  	(v2sf) =	vpush v9, $0x0  }
0x23: {  	(v2sf) =	vpush v8, $0x0;
	_ =	sdelay $0xd  }
0x24: {  	s3 =	spop (v2sf)  }
0x25: {  	s15 =	spop (v2sf)  }
0x26: {  	s16 =	sadd.s32 $0x1, s15  }
0x27: {  	p0 =	sge.s32 s3, s16  }
.Ltmp2:
0x28: {  	_ = 	snop;
	(pc) =	sbr.rel @p0 .LBB2_9-.Ltmp2, $2  }
0x29: {  	_ =	sdelay $0x2  }
0x2a: {  	s15 =	smul.u32 $0x1900, s3  }
0x2b: {  	s21 =	sadd.s32 $0x1, s3  }
0x2c: {  	p0 =	sne.s32 s16, s21  }
.Ltmp3:
0x2d: {  	_ = 	snop;
	(pc) =	sbr.rel @!p0 .LBB2_3-.Ltmp3, $3  }
0x2e: {  	_ =	sdelay $0x1  }
0x2f: {  	s20 =	simm.s32 $0x980  }
0x30: {  	p2 =	sgt.s32 s3, $0xE;
	p1 =	por $0x0, $0x0;
	s3 =	sshrl.u32 s15, $0x3  }
0x31: {  	p0 =	por p2, p2;
	s3 =	sadd.s32 s2, s3;
	s17 =	simm.s32 @p2 $0x0  }
0x32: {  	[tilespmem:s20], [sflag:$0x5] =	stream.linear.gather @p0 [hbm4b:s3+s17], $0xFA0, $0x38;
	[tilespmem:$0x1F580] =	vst v63  }
0x33: {  	s18 =	simm.s32 @p0 $0x5;
	s17 =	sadd.s32 $0x1, s21  }
0x34: {  	_ =	swait.ge @p0 [sflag:s18], $0xFA0;
	p3 =	sne.s32 s16, s17  }
.Ltmp4:
0x35: {  	[sflag:s18] =	ssyncset.done @p0 $0x0;
	(pc) =	sbr.rel @!p3 .LBB2_5-.Ltmp4, $4  }
0x36: {  	s19 =	simm.s32 $0x2280;
	s22 =	simm.s32 @!p0 $0x0;
	[sflag:s18] =	ssyncadd.s32 @p0 $0xFFFFF060  }
0x37: {  	[tilespmem:s20], [sflag:$0x6] =	stream.linear.gather @!p0 [hbm4b:s3+s22], $0x1900, $0x38;
	[tilespmem:$0x1F580] =	vst v63  }
0x38: {  	p2 =	sgt.s32 s21, $0xE;
	s18 =	simm.s32 @!p0 $0x6;
	s20 =	sadd.s32 $0x1900, s15  }
0x39: {  	p1 =	por $0x1, $0x1;
	s3 =	sshrl.u32 s20, $0x3;
	_ =	swait.ge @!p0 [sflag:s18], $0x1900  }
.LBB2_6:
0x3a: {  	s3 =	sadd.s32 s2, s3;
	s21 =	simm.s32 @p2 $0x0  }
0x3b: {  	[sflag:s18] =	ssyncset.done @!p0 $0x0;
	s22 =	smov.u32 s17;
	s23 =	smov.u32 s19  }
0x3c: {  	p3 =	por p0, p0;
	p0 =	por p2, p2;
	s17 =	sadd.s32 $0x1, s17  }
0x3d: {  	s24 =	simm.s32 @p0 $0x5;
	[sflag:s18] =	ssyncadd.s32 @!p3 $0xFFFFE700;
	p3 =	sne.s32 s16, s17  }
0x3e: {  	[tilespmem:s19], [sflag:$0x5] =	stream.linear.gather @p0 [hbm4b:s3+s21], $0xFA0, $0x38;
	[tilespmem:$0x1F580] =	vst v63  }
.Ltmp5:
0x3f: {  	_ =	swait.ge @p0 [sflag:s24], $0xFA0;
	(pc) =	sbr.rel @p3 .LBB2_6-.Ltmp5, $4  }
0x40: {  	s21 =	simm.s32 @!p0 $0x0;
	s19 =	sadd.s32 $0x1900, s19;
	[sflag:s24] =	ssyncset.done @p0 $0x0  }
0x41: {  	s20 =	sadd.s32 $0x1900, s20;
	s18 =	simm.s32 @!p0 $0x6;
	[sflag:s24] =	ssyncadd.s32 @p0 $0xFFFFF060  }
0x42: {  	[tilespmem:s23], [sflag:$0x6] =	stream.linear.gather @!p0 [hbm4b:s3+s21], $0x1900, $0x38;
	[tilespmem:$0x1F580] =	vst v63  }
0x43: {  	p2 =	sgt.s32 s22, $0xE;
	s3 =	sshrl.u32 s20, $0x3;
	_ =	swait.ge @!p0 [sflag:s18], $0x1900  }
0x44: {  	s20 =	smov.u32 s19  }
.LBB2_8:
0x45: {  	s3 =	sadd.s32 s2, s3;
	p3 =	por p0, !p1;
	p0 =	por @p1 p0, p0  }
0x46: {  	[sflag:s18] =	ssyncset.done @!p3 $0x0;
	p3 =	por p2, p2;
	p0 =	por p0, !p1  }
0x47: {  	s17 =	simm.s32 @p2 $0x0;
	s19 =	simm.s32 @p3 $0x5;
	[sflag:s18] =	ssyncadd.s32 @!p0 $0xFFFFE700  }
0x48: {  	[tilespmem:s20], [sflag:$0x5] =	stream.linear.gather @p3 [hbm4b:s3+s17], $0xFA0, $0x38;
	[tilespmem:$0x1F580] =	vst v63  }
0x49: {  	_ =	swait.ge @p3 [sflag:s19], $0xFA0  }
0x4a: {  	[sflag:s19] =	ssyncset.done @p3 $0x0  }
0x4b: {  	s18 =	simm.s32 @!p3 $0x6;
	s17 =	simm.s32 @!p3 $0x0;
	[sflag:s19] =	ssyncadd.s32 @p3 $0xFFFFF060  }
0x4c: {  	[tilespmem:s20], [sflag:$0x6] =	stream.linear.gather @!p3 [hbm4b:s3+s17], $0x1900, $0x38;
	[tilespmem:$0x1F580] =	vst v63  }
0x4d: {  	_ =	swait.ge @!p3 [sflag:s18], $0x1900  }
0x4e: {  	p0 =	por p3, p3;
	[sflag:s18] =	ssyncset.done @!p3 $0x0  }
0x4f: {  	[sflag:s18] =	ssyncadd.s32 @!p0 $0xFFFFE700  }
.LBB2_9:
0x50: {  	s3 =	smul.u32 $0x1900, s16;
	_ =	sdelay $0x1  }
0x51: {  	p0 =	slt.s32 s3, $0x186A0  }
0x52: {  	v9 =	vmov s15;
	s3 =	simm.s32 @!p0 $0x186A0  }
0x53: {  	v10 =	vadd.s32 $0xFFFFFFFF, v9;
	v8 =	vmov s3  }
0x54: {  	s15 =	simm.s32 $0x10;
	v12 =	vmov v10;
	v13 =	vadd.s32 v10, v8;
	v11 =	vmov v8  }
.LBB2_10:
0x55: {  	p0 =	sne.s32 s15, $0x1;
	v14 =	vand.u32 $0x1, v13  }
0x56: {  	v15 =	vshrl.u32 v13, $0x1F;
	vm0 =	vlt.s32 v13, $0x1;
	vm1 =	veq.s32 v14, $0x1  }
0x57: {  	v13 =	vadd.s32 v15, v13;
	vm0 =	vmand vm0, vm1  }
0x58: {  	v13 =	vshra.s32 v13, $0x1;
	v14 =	vsel vm0, $0xFFFFFFFF, v6  }
0x59: {  	v13 =	vadd.s32 v14, v13  }
0x5a: {  	vm0 =	vgt.s32 v13, v9  }
0x5b: {  	v13 =	vsel vm0, v13, v9  }
0x5c: {  	v14 =	vsub.s32 v13, v9  }
0x5d: {  	v15 =	vand.u32 $0x7F, v13;
	v14 =	vand.u32 $0xFFFFFF80, v14  }
0x5e: {  	v14 =	vor.u32 v15, v14;
	_ =	sdelay $0x4  }
0x5f: {  	v14 =	vld.idx.msk [tilespmem:v14+s11+$0x0], $0xffff;
	_ =	sdelay $0x3  }
.Ltmp6:
0x60: {  	(pc) =	sbr.rel @p0 .LBB2_10-.Ltmp6, $4  }
0x61: {  	_ = 	snop  }
0x62: {  	vm0 =	vlt.s32 v14, v3  }
0x63: {  	v12 =	vsel vm0, v13, v12;
	v11 =	vsel vm0, v11, v13  }
0x64: {  	s15 =	sadd.s32 $0xFFFFFFFF, s15;
	v13 =	vadd.s32 v12, v11  }
0x65: {  	v12 =	vand.u32 $0x1, v13  }
0x66: {  	v14 =	vshrl.u32 v13, $0x1F;
	vm0 =	vlt.s32 v13, $0x1;
	vm1 =	veq.s32 v12, $0x1  }
0x67: {  	v60 =	vadd.s32 v14, v13;
	vm0 =	vmand vm0, vm1  }
0x68: {  	v12 =	vshra.s32 v60, $0x1;
	v61 =	vsel vm0, $0xFFFFFFFF, v6  }
0x69: {  	v12 =	vadd.s32 v61, v12  }
0x6a: {  	vm14 =	vgt.s32 v12, v9  }
0x6b: {  	v12 =	vsel vm14, v12, v9  }
0x6c: {  	v62 =	vsub.s32 v12, v9  }
0x6d: {  	v63 =	vand.u32 $0x7F, v12;
	v13 =	vand.u32 $0xFFFFFF80, v62  }
0x6e: {  	v13 =	vor.u32 v63, v13;
	_ =	sdelay $0x4  }
0x6f: {  	v13 =	vld.idx.msk [tilespmem:v13+s11+$0x0], $0xffff;
	_ =	sdelay $0x4  }
0x70: {  	vm15 =	vlt.s32 v13, v3  }
0x71: {  	v11 =	vsel vm15, v11, v12  }
0x72: {  	s15 =	simm.s32 $0x10;
	[tilespmem:$0x0] =	vst v11;
	v11 =	vadd.s32 v10, v8  }
.LBB2_12:
0x73: {  	p0 =	sne.s32 s15, $0x1;
	v12 =	vand.u32 $0x1, v11  }
0x74: {  	v13 =	vshrl.u32 v11, $0x1F;
	vm0 =	vlt.s32 v11, $0x1;
	vm1 =	veq.s32 v12, $0x1  }
0x75: {  	v11 =	vadd.s32 v13, v11;
	vm0 =	vmand vm0, vm1  }
0x76: {  	v11 =	vshra.s32 v11, $0x1;
	v12 =	vsel vm0, $0xFFFFFFFF, v6  }
0x77: {  	v11 =	vadd.s32 v12, v11  }
0x78: {  	vm0 =	vgt.s32 v11, v9  }
0x79: {  	v11 =	vsel vm0, v11, v9  }
0x7a: {  	v12 =	vsub.s32 v11, v9  }
0x7b: {  	v13 =	vand.u32 $0x7F, v11;
	v12 =	vand.u32 $0xFFFFFF80, v12  }
0x7c: {  	v12 =	vor.u32 v13, v12;
	_ =	sdelay $0x4  }
0x7d: {  	v12 =	vld.idx.msk [tilespmem:v12+s11+$0x0], $0xffff;
	_ =	sdelay $0x3  }
.Ltmp7:
0x7e: {  	(pc) =	sbr.rel @p0 .LBB2_12-.Ltmp7, $4  }
0x7f: {  	_ = 	snop  }
0x80: {  	vm0 =	vlt.s32 v12, v4  }
0x81: {  	v10 =	vsel vm0, v11, v10;
	v8 =	vsel vm0, v8, v11  }
0x82: {  	s15 =	sadd.s32 $0xFFFFFFFF, s15;
	v11 =	vadd.s32 v10, v8  }
0x83: {  	v10 =	vand.u32 $0x1, v11  }
0x84: {  	v12 =	vshrl.u32 v11, $0x1F;
	vm0 =	vlt.s32 v11, $0x1;
	vm1 =	veq.s32 v10, $0x1  }
0x85: {  	v61 =	vadd.s32 v12, v11;
	vm0 =	vmand vm0, vm1  }
0x86: {  	v10 =	vshra.s32 v61, $0x1;
	v62 =	vsel vm0, $0xFFFFFFFF, v6  }
0x87: {  	v10 =	vadd.s32 v62, v10  }
0x88: {  	vm14 =	vgt.s32 v10, v9  }
0x89: {  	v10 =	vsel vm14, v10, v9  }
0x8a: {  	v9 =	vsub.s32 v10, v9  }
0x8b: {  	v63 =	vand.u32 $0x7F, v10;
	v9 =	vand.u32 $0xFFFFFF80, v9  }
0x8c: {  	v9 =	vor.u32 v63, v9;
	_ =	sdelay $0x4  }
0x8d: {  	v9 =	vld.idx.msk [tilespmem:v9+s11+$0x0], $0xffff;
	_ =	sdelay $0x4  }
0x8e: {  	vm15 =	vlt.s32 v9, v4  }
0x8f: {  	v8 =	vsel vm15, v8, v10  }
0x90: {  	s3 =	simm.s32 $0x0;
	s15 =	simm.s32 $0x200;
	[tilespmem:$0x10] =	vst v8  }
.LBB2_14:
0x91: {  	p0 =	sne.s32 s15, $0x1E00;
	[tilespmem:s3+$0xF0] =	vst v7  }
0x92: {  	[tilespmem:s3+$0x80] =	vst v7  }
0x93: {  	[tilespmem:s3+$0x90] =	vst v7  }
.Ltmp8:
0x94: {  	[tilespmem:s3+$0xA0] =	vst v7;
	(pc) =	sbr.rel @p0 .LBB2_14-.Ltmp8, $4  }
0x95: {  	[tilespmem:s3+$0xB0] =	vst v7  }
0x96: {  	[tilespmem:s3+$0xC0] =	vst v7  }
0x97: {  	[tilespmem:s3+$0xD0] =	vst v7  }
0x98: {  	[tilespmem:s3+$0xE0] =	vst v7;
	s3 =	sshra.s32 s15, $0x2;
	s15 =	sadd.s32 $0x200, s15  }
0x99: {  	[tilespmem:s3+$0xF0] =	vst v7  }
0x9a: {  	[tilespmem:s3+$0x80] =	vst v7  }
0x9b: {  	[tilespmem:s3+$0x90] =	vst v7  }
0x9c: {  	[tilespmem:s3+$0xA0] =	vst v7  }
0x9d: {  	[tilespmem:s3+$0xB0] =	vst v7  }
0x9e: {  	[tilespmem:s3+$0xC0] =	vst v7  }
0x9f: {  	[tilespmem:s3+$0xD0] =	vst v7  }
0xa0: {  	[tilespmem:s3+$0xE0] =	vst v7  }
0xa1: {  	v8 =	vld [tilespmem:$0x0]  }
0xa2: {  	v9 =	vld [tilespmem:$0x10];
	_ =	sdelay $0x3  }
0xa3: {  	(v2sf) =	vpush v8, $0x0  }
0xa4: {  	(v2sf) =	vpush v9, $0x0;
	_ =	sdelay $0xd  }
0xa5: {  	s1 =	spop (v2sf)  }
0xa6: {  	s16 =	spop (v2sf)  }
0xa7: {  	s31 =	ssub.s32 s16, s1  }
0xa8: {  	s17 =	sadd.s32 $0x13F, s31  }
0xa9: {  	s18 =	smulhi.u32 $0x66666667, s17;
	s19 =	sshra.s32 s17, $0x1F  }
0xaa: {  	s19 =	smul.u32 $0x66666667, s19;
	_ =	sdelay $0x1  }
0xab: {  	s18 =	sadd.s32 s19, s18  }
0xac: {  	s19 =	sshrl.u32 s18, $0x1F;
	s18 =	sshra.s32 s18, $0x7  }
0xad: {  	s18 =	sadd.s32 s19, s18  }
0xae: {  	s19 =	smul.u32 $0xFFFFFEC0, s18  }
0xaf: {  	s3 =	ssub.s32 $0xFFFFFEC1, s31  }
0xb0: {  	p0 =	slt.s32 s17, $0x1;
	p1 =	sne.s32 s19, s3  }
0xb1: {  	p0 =	por !p0, !p1  }
0xb2: {  	s3 =	simm.s32 $0x1;
	p0 =	por !p0, !p0  }
0xb3: {  	s3 =	simm.s32 @!p0 $0x0  }
0xb4: {  	s17 =	ssub.s32 s18, s3  }
0xb5: {  	p0 =	slt.s32 s17, $0x1  }
.Ltmp9:
0xb6: {  	_ = 	snop;
	(pc) =	sbr.rel @p0 .LBB2_25-.Ltmp9, $1  }
0xb7: {  	_ =	sdelay $0x3  }
0xb8: {  	s18 =	sand.u32 $0x7, s1  }
0xb9: {  	s3 =	sshra.s32 s1, $0x1F;
	p1 =	slt.s32 s1, $0x1;
	p0 =	sne.s32 s18, $0x0  }
0xba: {  	s3 =	sshrl.u32 s3, $0x1D;
	p1 =	por !p1, !p0  }
0xbb: {  	s19 =	simm.s32 $0x1;
	s3 =	sadd.s32 s3, s1;
	p1 =	por !p1, !p1  }
0xbc: {  	s3 =	sshrl.u32 s3, $0x3;
	s19 =	simm.s32 @!p1 $0x0  }
0xbd: {  	s3 =	ssub.s32 s3, s19  }
0xbe: {  	s3 =	sshll.u32 s3, $0x3  }
0xbf: {  	p1 =	slt.s32 s3, $0x18558  }
0xc0: {  	s3 =	simm.s32 @!p1 $0x18558  }
0xc1: {  	s3 =	sshll.u32 s3, $0x4  }
0xc2: {  	p1 =	seq.s32 s17, $0x1;
	s3 =	sadd.s32 s0, s3  }
0xc3: {  	[tilespmem:s11], [sflag:$0x2] =	stream.linear.gather [hbm4b:s3+s4], $0xA400, $0x38;
	[tilespmem:$0x1F580] =	vst v63  }
0xc4: {  	s3 =	sadd.s32 @!p1 $0x140, s1  }
0xc5: {  	p2 =	sne.s32 @!p1 s18, $0x0;
	p3 =	slt.s32 @!p1 s3, $0x1  }
0xc6: {  	s19 =	sshra.s32 @!p1 s3, $0x1F;
	p2 =	por @!p1 !p3, !p2  }
0xc7: {  	s19 =	sshrl.u32 @!p1 s19, $0x1D;
	p2 =	por @!p1 !p2, !p2  }
0xc8: {  	s3 =	sadd.s32 @!p1 s19, s3;
	s19 =	simm.s32 @!p1 $0x1;
	p2 =	por !p2, p1  }
0xc9: {  	s3 =	sshrl.u32 @!p1 s3, $0x3;
	s19 =	simm.s32 @p2 $0x0  }
0xca: {  	s3 =	ssub.s32 @!p1 s3, s19  }
0xcb: {  	s3 =	sshll.u32 @!p1 s3, $0x3  }
0xcc: {  	p2 =	slt.s32 @!p1 s3, $0x18558  }
0xcd: {  	p2 =	por !p2, p1  }
.Ltmp10:
0xce: {  	s3 =	simm.s32 @p2 $0x18558;
	(pc) =	sbr.rel .LBB2_17-.Ltmp10, $4  }
0xcf: {  	s22 =	simm.s32 $0x0;
	s3 =	sshll.u32 @!p1 s3, $0x4  }
0xd0: {  	v9 =	vimm.f32 $-Inf;
	v10 =	vimm.f32 $-Inf;
	s20 =	simm.s32 @!p1 $0xAD80;
	s19 =	simm.s32 @!p1 $0x0;
	s3 =	sadd.s32 @!p1 s0, s3  }
0xd1: {  	v11 =	vimm.f32 $-Inf;
	v12 =	vimm.f32 $-Inf;
	v13 =	vimm.f32 $-Inf;
	[tilespmem:s20], [sflag:$0x3] =	stream.linear.gather @!p1 [hbm4b:s3+s19], $0xA400, $0x38;
	[tilespmem:$0x1F580] =	vst v63  }
0xd2: {  	s15 =	smov.u32 s1;
	v14 =	vimm.f32 $-Inf;
	v15 =	vimm.f32 $-Inf;
	v16 =	vimm.f32 $-Inf;
	s21 =	simm.s32 $0x0;
	s19 =	simm.s32 $0x9C0  }
.LBB2_24:
0xd3: {  	v17 =	vld [tilespmem:s25+$0xFFFFFFFF];
	_ =	sdelay $0x4  }
0xd4: {  	(v2sf) =	vpush v17, $0x1;
	_ =	sdelay $0xe  }
0xd5: {  	s3 =	spop (v2sf)  }
0xd6: {  	s21 =	sadd.s32 $0x1, s21;
	p1 =	sle.s32 s3, s23;
	s3 =	simm.s32 $0x1  }
0xd7: {  	s3 =	simm.s32 @!p1 $0x0;
	p1 =	sne.s32 s21, s17  }
.Ltmp11:
0xd8: {  	_ = 	snop;
	(pc) =	sbr.rel @!p1 .LBB2_25-.Ltmp11, $3  }
0xd9: {  	_ =	sdelay $0x1  }
0xda: {  	s20 =	sadd.s32 $0xFFFFFFFF, s25  }
0xdb: {  	s19 =	sadd.s32 $0xA400, s19;
	s15 =	sadd.s32 $0x140, s15;
	s22 =	sadd.s32 s3, s20  }
.LBB2_17:
0xdc: {  	s3 =	smul.u32 $0x140, s21  }
0xdd: {  	s23 =	smulhi.u32 $0xAAAAAAAB, s21  }
0xde: {  	s24 =	sadd.s32 s1, s3  }
0xdf: {  	s28 =	sshrl.u32 s23, $0x1;
	s3 =	sadd.s32 $0x140, s24  }
0xe0: {  	s23 =	smov.u32 s16;
	s25 =	smul.u32 $0x3, s28;
	p1 =	slt.s32 s3, s16  }
0xe1: {  	s23 =	smov.u32 @p1 s3  }
0xe2: {  	s31 =	ssub.s32 s21, s25;
	s25 =	sadd.s32 $0x2, s21;
	vm0 =	vlt.s32 v8, s23  }
0xe3: {  	s3 =	sadd.s32 $0x2, s31;
	p1 =	sge.s32 s25, s17;
	v17 =	vmpcnt.ones.xlane vm0  }
0xe4: {  	_ =	swait.ge [sflag:s3], $0xA400;
	s26 =	smul.u32 @!p1 $0x140, s25  }
0xe5: {  	(v2sf) =	vpush v17, $0x0  }
0xe6: {  	s26 =	sadd.s32 @!p1 s1, s26  }
0xe7: {  	p2 =	sne.s32 @!p1 s18, $0x0;
	p3 =	slt.s32 @!p1 s26, $0x1  }
0xe8: {  	s30 =	sshra.s32 @!p1 s26, $0x1F;
	p2 =	por @!p1 !p2, !p3  }
0xe9: {  	s29 =	smulhi.u32 @!p1 $0xAAAAAAAB, s25;
	s30 =	sshrl.u32 @!p1 s30, $0x1D;
	p2 =	por @!p1 !p2, !p2  }
0xea: {  	s26 =	sadd.s32 @!p1 s30, s26;
	s30 =	simm.s32 @!p1 $0x1;
	p2 =	por !p2, p1  }
0xeb: {  	s29 =	sshrl.u32 @!p1 s29, $0x1;
	s26 =	sshrl.u32 @!p1 s26, $0x3;
	s30 =	simm.s32 @p2 $0x0  }
0xec: {  	s29 =	smul.u32 @!p1 $0x3, s29;
	s26 =	ssub.s32 @!p1 s26, s30  }
0xed: {  	s26 =	sshll.u32 @!p1 s26, $0x3  }
0xee: {  	s25 =	ssub.s32 @!p1 s25, s29;
	p2 =	slt.s32 @!p1 s26, $0x18558  }
0xef: {  	[sflag:s3] =	ssyncset.done $0x0;
	s29 =	smul.u32 @!p1 $0x29000, s25;
	p2 =	por !p2, p1  }
0xf0: {  	[sflag:s3] =	ssyncadd.s32 $0xFFFF5C00;
	s26 =	simm.s32 @p2 $0x18558  }
0xf1: {  	s25 =	sadd.s32 @!p1 $0x2, s25;
	s29 =	sshrl.u32 @!p1 s29, $0x2;
	s26 =	sshll.u32 @!p1 s26, $0x4  }
0xf2: {  	s3 =	sadd.s32 @!p1 $0x980, s29;
	s29 =	simm.s32 @!p1 $0x0;
	s26 =	sadd.s32 @!p1 s0, s26  }
0xf3: {  	[tilespmem:s3], [sflag:s25] =	stream.linear.gather @!p1 [hbm4b:s26+s29], $0xA400, $0x38;
	[tilespmem:$0x1F580] =	vst v63  }
0xf4: {  	s25 =	spop (v2sf)  }
0xf5: {  	p1 =	sge.s32 s22, s25  }
.Ltmp12:
0xf6: {  	_ = 	snop;
	(pc) =	sbr.rel @p1 .LBB2_24-.Ltmp12, $1  }
0xf7: {  	_ =	sdelay $0x3  }
0xf8: {  	s3 =	sshra.s32 s24, $0x1F;
	p1 =	slt.s32 s24, $0x1  }
0xf9: {  	s3 =	sshrl.u32 s3, $0x1D;
	p1 =	por !p0, !p1  }
0xfa: {  	s26 =	simm.s32 $0x1;
	s3 =	sadd.s32 s3, s24;
	p1 =	por !p1, !p1  }
0xfb: {  	s3 =	sshrl.u32 s3, $0x3;
	s26 =	simm.s32 @!p1 $0x0  }
0xfc: {  	s3 =	ssub.s32 s3, s26  }
0xfd: {  	s26 =	sshll.u32 s3, $0x3  }
0xfe: {  	p1 =	slt.s32 s26, $0x18558  }
0xff: {  	s31 =	smul.u32 $0x7B000, s28;
	s26 =	simm.s32 @!p1 $0x18558  }
.Ltmp13:
0x100: {  	s28 =	sshll.u32 s26, $0x9;
	(pc) =	sbr.rel .LBB2_19-.Ltmp13, $4  }
0x101: {  	s3 =	sadd.s32 s31, s28  }
0x102: {  	s3 =	ssub.s32 $0x0, s3  }
0x103: {  	s3 =	sshra.s32 s3, $0x2  }
0x104: {  	s28 =	sadd.s32 s3, s19  }
.LBB2_22:
0x105: {  	v13 =	vmax.f32 v13, v18;
	v12 =	vmax.f32 v12, v17  }
0x106: {  	v11 =	vmax.f32 v11, v19;
	v10 =	vmax.f32 v10, v20;
	v16 =	vmax.f32 v16, v21  }
.LBB2_23:
0x107: {  	s3 =	sshll.u32 s22, $0x9  }
0x108: {  	s3 =	sshra.s32 s3, $0x2  }
0x109: {  	[tilespmem:s3+$0x80] =	vst v16  }
0x10a: {  	s22 =	sadd.s32 $0x1, s22;
	[tilespmem:s3+$0x90] =	vst v15  }
0x10b: {  	p2 =	sne.s32 s22, s25;
	[tilespmem:s3+$0xA0] =	vst v14  }
.Ltmp14:
0x10c: {  	[tilespmem:s3+$0xB0] =	vst v13;
	(pc) =	sbr.rel @!p2 .LBB2_24-.Ltmp14, $4  }
0x10d: {  	p1 =	sgt.s32 s29, s23;
	[tilespmem:s3+$0xC0] =	vst v12  }
0x10e: {  	[tilespmem:s3+$0xD0] =	vst v11;
	v16 =	vpsel !p1, $0xFF800000, v16;
	v15 =	vpsel !p1, $0xFF800000, v15  }
0x10f: {  	[tilespmem:s3+$0xE0] =	vst v10;
	v14 =	vpsel !p1, $0xFF800000, v14;
	v13 =	vpsel !p1, $0xFF800000, v13;
	v12 =	vpsel !p1, $0xFF800000, v12  }
0x110: {  	[tilespmem:s3+$0xF0] =	vst v9;
	v11 =	vpsel !p1, $0xFF800000, v11;
	v10 =	vpsel !p1, $0xFF800000, v10;
	v9 =	vpsel !p1, $0xFF800000, v9  }
.LBB2_19:
0x111: {  	v17 =	vld [tilespmem:s22+$0x0];
	_ =	sdelay $0x4  }
0x112: {  	(v2sf) =	vpush v17, $0x0  }
0x113: {  	(v2sf) =	vpush v17, $0x1;
	_ =	sdelay $0xd  }
0x114: {  	s31 =	spop (v2sf)  }
0x115: {  	s3 =	smov.u32 s24;
	s29 =	spop (v2sf)  }
0x116: {  	s30 =	smov.u32 s23;
	p1 =	sgt.s32 s31, s24;
	p2 =	slt.s32 s29, s23  }
0x117: {  	s3 =	smov.u32 @p1 s31;
	s30 =	smov.u32 @p2 s29  }
0x118: {  	s3 =	ssub.s32 s3, s26;
	s30 =	ssub.s32 s30, s26  }
0x119: {  	p1 =	sge.s32 s3, s30  }
.Ltmp15:
0x11a: {  	_ = 	snop;
	(pc) =	sbr.rel @p1 .LBB2_23-.Ltmp15, $1  }
0x11b: {  	_ =	sdelay $0x3  }
0x11c: {  	p1 =	sgt.s32 s31, s15;
	s20 =	smov.u32 s15  }
0x11d: {  	s20 =	smov.u32 @p1 s31  }
0x11e: {  	s20 =	sshll.u32 s20, $0x9  }
0x11f: {  	s20 =	sshra.s32 s20, $0x2  }
0x120: {  	s20 =	sadd.s32 s20, s28  }
0x121: {  	v21 =	vld [tilespmem:s20+$0x30]  }
0x122: {  	v22 =	vld [tilespmem:s20+$0xFFFFFFD0]  }
0x123: {  	v23 =	vld [tilespmem:s20+$0xFFFFFFE0]  }
0x124: {  	v18 =	vld [tilespmem:s20+$0xFFFFFFF0]  }
0x125: {  	s31 =	sadd.s32 $0x1, s3;
	v17 =	vld [tilespmem:s20+$0x0]  }
0x126: {  	p1 =	slt.s32 s31, s30;
	v19 =	vld [tilespmem:s20+$0x10]  }
.Ltmp16:
0x127: {  	v20 =	vld [tilespmem:s20+$0x20];
	(pc) =	sbr.rel @!p1 .LBB2_22-.Ltmp16, $2  }
0x128: {  	v9 =	vmax.f32 v9, v21;
	v21 =	vld [tilespmem:s20+$0xFFFFFFC0];
	_ =	sdelay $0x2  }
0x129: {  	s3 =	sadd.s32 $0x80, s20;
	v15 =	vmax.f32 v15, v22;
	v14 =	vmax.f32 v14, v23  }
.LBB2_21:
0x12a: {  	v22 =	vld [tilespmem:s3+$0x30];
	s31 =	sadd.s32 $0x1, s31;
	v13 =	vmax.f32 v13, v18  }
0x12b: {  	v12 =	vmax.f32 v12, v17;
	v23 =	vld [tilespmem:s3+$0xFFFFFFD0];
	p1 =	slt.s32 s31, s30  }
0x12c: {  	v11 =	vmax.f32 v11, v19;
	v24 =	vld [tilespmem:s3+$0xFFFFFFE0]  }
.Ltmp17:
0x12d: {  	v10 =	vmax.f32 v10, v20;
	v18 =	vld [tilespmem:s3+$0xFFFFFFF0];
	(pc) =	sbr.rel @p1 .LBB2_21-.Ltmp17, $4  }
0x12e: {  	v16 =	vmax.f32 v16, v21;
	v17 =	vld [tilespmem:s3+$0x0]  }
0x12f: {  	v19 =	vld [tilespmem:s3+$0x10];
	v9 =	vmax.f32 v9, v22  }
0x130: {  	v15 =	vmax.f32 v15, v23;
	v20 =	vld [tilespmem:s3+$0x20]  }
0x131: {  	v21 =	vld [tilespmem:s3+$0xFFFFFFC0];
	v14 =	vmax.f32 v14, v24;
	s3 =	sadd.s32 $0x80, s3  }
.Ltmp18:
0x132: {  	_ = 	snop;
	(pc) =	sbr.rel .LBB2_22-.Ltmp18, $1  }
0x133: {  	_ =	sdelay $0x3  }
.LBB2_3:
.Ltmp19:
0x134: {  	(pc) =	sbr.rel .LBB2_8-.Ltmp19, $2  }
0x135: {  	_ =	sdelay $0x2  }
0x136: {  	_ = 	snop  }
.LBB2_5:
.Ltmp20:
0x137: {  	(pc) =	sbr.rel .LBB2_8-.Ltmp20, $2  }
0x138: {  	_ =	sdelay $0x2  }
0x139: {  	s20 =	simm.s32 $0x2280  }
.LBB2_26:
0x13a: {  	_ =	sfence.sel $0x180000  }
0x13b: {  	[bflag:$0x0] =	sbarrier.arrive $0xFFFF  }
0x13c: {  	_ =	strace $0x90000047  }
0x13d: {  	s0 =	stileid.u32;
	[bflag:$0x2] =	sbarrier.arrive $0xFFFF  }
0x13e: {  	p0 =	sne.s32 s0, $0x0;
	s0 =	rddreg [dreg:$0x3]  }
0x13f: {  	s0 =	sadd.s32 @!p0 $0x100000, s0  }
0x140: {  	[sflag:s0] =	ssyncadd.tile.s32 @!p0 $0x1;
	_ =	shalt  }
.Lfunc_end2:
_tile_overlayer_lowered:
.L_overlay_start_2:
0x141: {  	(tag) =	ssettag $0x2  }
0x142: {  	s0 =	rddreg [dreg:$0x0];
	s2 =	stileid.u32  }
0x143: {  	s1 =	rddreg [dreg:$0x1];
	p0 =	sne.s32 s2, $0x0  }
0x144: {  	s3 =	rddreg [dreg:$0x2];
	[bflag:$0x3] =	sbarrier.arrive $0xFFFF;
	s2 =	simm.s32 @!p0 $0x1C05  }
0x145: {  	[timem:s3], [sflag:s2] =	dma.local @!p0 [hbm:s0], s1  }
0x146: {  	s0 =	simm.s32 @!p0 $0x5  }
0x147: {  	_ =	swait.ge @!p0 [sflag:s0], s1  }
0x148: {  	s1 =	ssub.s32 @!p0 $0x0, s1;
	[sflag:s0] =	ssyncset.done @!p0 $0x0  }
0x149: {  	[sflag:s0] =	ssyncadd.s32 @!p0 s1  }
0x14a: {  	[bflag:$0x3] =	sbarrier.arrive $0xFFFF  }
0x14b: {  	_ =	shalt  }

</sc_bundles>
